<compile_context>
chip_gen: v7x
topology: tpu7x:2x2x1
jax: 0.10.2.dev20260603
libtpu: 0.0.44.dev20260713+nightly
codegen_flags: <defaults>
</compile_context>

<pallas_src>
import functools

import jax
import jax.numpy as jnp
from jax import lax
from jax.experimental import pallas as pl
from jax.experimental.pallas import tpu as pltpu
from jax.experimental.pallas import tpu_sc as plsc

N_NODES = 10000
N_EDGES = 320000
D = 128

NC = 2
NS = 16
NW = NC * NS

B = 125
K = 80
KW = 40
EPT = B * K
E_PAD = NW * EPT
ACC_N = 10240
SLAB = ACC_N // NS


def _seg_body(with_counts, x_hbm, src_hbm, dst_hbm, out_hbm, cnt_hbm,
              rows0, rows1, src_v, dst_v, ones_v, zc_v, acc_sh, cnt_sh,
              s0, s1):
    _ZERO16 = jnp.zeros((16,), jnp.float32)
    _ONES16 = jnp.ones((16,), jnp.float32)
    cid = lax.axis_index("c")
    sid = lax.axis_index("s")
    wid = sid * NC + cid
    base = sid * SLAB

    def zr(i, _):
        rows0[i // 8, pl.ds((i % 8) * 16, 16)] = _ZERO16
        return 0
    lax.fori_loop(0, B * 8, zr, 0)
    nfull, rem = divmod(SLAB, B)
    for k in range(nfull):
        pltpu.sync_copy(rows0, acc_sh.at[pl.ds(base + k * B, B)])
    if rem:
        pltpu.sync_copy(rows0.at[pl.ds(0, rem)],
                        acc_sh.at[pl.ds(base + nfull * B, rem)])

    if with_counts:
        def zo(i, _):
            ones_v[pl.ds(jnp.minimum(i * 16, B - 16), 16)] = _ONES16
            return 0
        lax.fori_loop(0, (B + 15) // 16, zo, 0)

        def zs(i, _):
            zc_v[pl.ds(i * 16, 16)] = _ZERO16
            return 0
        lax.fori_loop(0, SLAB // 16, zs, 0)
        pltpu.sync_copy(zc_v, cnt_sh.at[pl.ds(sid * SLAB, SLAB)])

    plsc.subcore_barrier()

    for h in range(K // KW):
        pltpu.sync_copy(src_hbm.at[wid, h], src_v)
        pltpu.sync_copy(dst_hbm.at[wid, h], dst_v)
        pltpu.async_copy(x_hbm.at[src_v.at[0]], rows0, s0)
        pltpu.async_copy(x_hbm.at[src_v.at[1]], rows1, s1)

        def body(i, _):
            for par, rows, sem in ((0, rows0, s0), (1, rows1, s1)):
                j = 2 * i + par
                pltpu.make_async_copy(x_hbm.at[src_v.at[j]], rows, sem).wait()
                if with_counts:
                    pltpu.sync_copy(ones_v, cnt_sh.at[dst_v.at[j]], add=True)
                pltpu.sync_copy(rows, acc_sh.at[dst_v.at[j]], add=True)

                @pl.when(j + 2 < KW)
                def _():
                    pltpu.async_copy(x_hbm.at[src_v.at[j + 2]], rows, sem)
            return 0
        lax.fori_loop(0, KW // 2, body, 0)

    plsc.subcore_barrier()

    pltpu.sync_copy(acc_sh.at[pl.ds(base, SLAB)],
                    out_hbm.at[cid, pl.ds(base, SLAB)])
    if with_counts:
        pltpu.sync_copy(cnt_sh.at[pl.ds(sid * SLAB, SLAB)],
                        cnt_hbm.at[cid, pl.ds(sid * SLAB, SLAB)])


def _make_seg(with_counts):
    return functools.partial(
        pl.kernel,
        out_type=(
            jax.ShapeDtypeStruct((NC, ACC_N, D), jnp.float32),
            jax.ShapeDtypeStruct((NC, ACC_N), jnp.float32),
        ),
        mesh=plsc.VectorSubcoreMesh(core_axis_name="c", subcore_axis_name="s"),
        scratch_types=[
            pltpu.VMEM((B, D), jnp.float32),
            pltpu.VMEM((B, D), jnp.float32),
            pltpu.VMEM((KW, B), jnp.int32),
            pltpu.VMEM((KW, B), jnp.int32),
            pltpu.VMEM((B,), jnp.float32),
            pltpu.VMEM((SLAB,), jnp.float32),
            pltpu.VMEM_SHARED((ACC_N, D), jnp.float32),
            pltpu.VMEM_SHARED((ACC_N,), jnp.float32),
            pltpu.SemaphoreType.DMA,
            pltpu.SemaphoreType.DMA,
        ],
    )(functools.partial(_seg_body, with_counts))


_seg_sum_cnt = _make_seg(True)
_seg_sum = _make_seg(False)


RB = 512
_GRID = (N_NODES + RB - 1) // RB


def _lin_body(x_ref, w_ref, b_ref, o_ref):
    o_ref[...] = (jnp.dot(x_ref[...], w_ref[...],
                          preferred_element_type=jnp.float32) + b_ref[...])


def _lin(x, w, b):
    return pl.pallas_call(
        _lin_body,
        grid=(_GRID,),
        in_specs=[
            pl.BlockSpec((RB, D), lambda i: (i, 0)),
            pl.BlockSpec((D, D), lambda i: (0, 0)),
            pl.BlockSpec((1, D), lambda i: (0, 0)),
        ],
        out_specs=pl.BlockSpec((RB, D), lambda i: (i, 0)),
        out_shape=jax.ShapeDtypeStruct((N_NODES, D), jnp.float32),
    )(x, w, b)


def _agg_of(p_ref, cnt_ref):
    s = p_ref[0] + p_ref[1]
    c = cnt_ref[0] + cnt_ref[1]
    return s * (1.0 / jnp.maximum(c, 1.0))[:, None]


def _comb1_body(p_ref, cnt_ref, xr_ref, wl_ref, w2_ref, b2_ref,
                h_ref, xr2_ref):
    agg = _agg_of(p_ref, cnt_ref)
    h = jnp.maximum(
        jnp.dot(agg, wl_ref[...], preferred_element_type=jnp.float32)
        + xr_ref[...], 0.0)
    h_ref[...] = h
    xr2_ref[...] = (jnp.dot(h, w2_ref[...],
                            preferred_element_type=jnp.float32) + b2_ref[...])


def _comb1(p, cnt, xr, wl, w2, b2):
    return pl.pallas_call(
        _comb1_body,
        grid=(_GRID,),
        in_specs=[
            pl.BlockSpec((NC, RB, D), lambda i: (0, i, 0)),
            pl.BlockSpec((NC, RB), lambda i: (0, i)),
            pl.BlockSpec((RB, D), lambda i: (i, 0)),
            pl.BlockSpec((D, D), lambda i: (0, 0)),
            pl.BlockSpec((D, D), lambda i: (0, 0)),
            pl.BlockSpec((1, D), lambda i: (0, 0)),
        ],
        out_specs=[
            pl.BlockSpec((RB, D), lambda i: (i, 0)),
            pl.BlockSpec((RB, D), lambda i: (i, 0)),
        ],
        out_shape=[
            jax.ShapeDtypeStruct((N_NODES, D), jnp.float32),
            jax.ShapeDtypeStruct((N_NODES, D), jnp.float32),
        ],
    )(p, cnt, xr, wl, w2, b2)


def _comb2_body(p_ref, cnt_ref, xr_ref, wl_ref, o_ref):
    agg = _agg_of(p_ref, cnt_ref)
    o_ref[...] = jnp.dot(agg, wl_ref[...],
                         preferred_element_type=jnp.float32) + xr_ref[...]


def _comb2(p, cnt, xr, wl):
    return pl.pallas_call(
        _comb2_body,
        grid=(_GRID,),
        in_specs=[
            pl.BlockSpec((NC, RB, D), lambda i: (0, i, 0)),
            pl.BlockSpec((NC, RB), lambda i: (0, i)),
            pl.BlockSpec((RB, D), lambda i: (i, 0)),
            pl.BlockSpec((D, D), lambda i: (0, 0)),
        ],
        out_specs=pl.BlockSpec((RB, D), lambda i: (i, 0)),
        out_shape=jax.ShapeDtypeStruct((N_NODES, D), jnp.float32),
    )(p, cnt, xr, wl)


def kernel(x, edge_index, W1_l, W1_r, b1, W2_l, W2_r, b2):
    src_p = edge_index[0].astype(jnp.int32).reshape(NW, K // KW, KW, B)
    dst_p = edge_index[1].astype(jnp.int32).reshape(NW, K // KW, KW, B)
    b1r = b1.reshape(1, D)
    b2r = b2.reshape(1, D)

    xr1 = _lin(x, W1_r, b1r)
    p1, cnt = _seg_sum_cnt(x, src_p, dst_p)
    h, xr2 = _comb1(p1, cnt, xr1, W1_l, W2_r, b2r)
    p2, _ = _seg_sum(h, src_p, dst_p)
    return _comb2(p2, cnt, xr2, W2_l)

# --- scband reference (transcript-rebuilt; emitter-appended) ---
"""Pipeline reference for scband-gnn-base-5153960755959 (READ-ONLY COPY).

The authoritative reference and input builder live on the scoring server;
editing this copy changes nothing except your own understanding.
"""

import jax, jax.numpy as jnp
import numpy as np

N_NODES = 10000
N_EDGES = 320000
D = 128

def setup_inputs(seed: int = 0) -> dict:
    key = jax.random.key(seed)
    ks = jax.random.split(key, 9)
    x = jax.random.normal(ks[0], (N_NODES, D), dtype=jnp.float32)
    edge_index = jax.random.randint(ks[1], (2, N_EDGES), 0, N_NODES, dtype=jnp.int64)
    scale = 1.0 / np.sqrt(D)
    W1_l = jax.random.uniform(ks[2], (D, D), jnp.float32, -scale, scale)
    W1_r = jax.random.uniform(ks[3], (D, D), jnp.float32, -scale, scale)
    b1 = jax.random.uniform(ks[4], (D,), jnp.float32, -scale, scale)
    W2_l = jax.random.uniform(ks[5], (D, D), jnp.float32, -scale, scale)
    W2_r = jax.random.uniform(ks[6], (D, D), jnp.float32, -scale, scale)
    b2 = jax.random.uniform(ks[7], (D,), jnp.float32, -scale, scale)
    return {"x": x, "edge_index": edge_index, "W1_l": W1_l, "W1_r": W1_r, "b1": b1, "W2_l": W2_l, "W2_r": W2_r, "b2": b2}

def _sage_conv(x, edge_index, W_l, W_r, b):
    # PyG SAGEConv with mean aggregation:
    #   out = lin_l(mean_{j in N(i)} x_j) + lin_r(x_i)
    n = x.shape[0]
    src = edge_index[0]
    dst = edge_index[1]
    msgs = jnp.take(x, src, axis=0)  # gather source-node features per edge
    summed = jax.ops.segment_sum(msgs, dst, num_segments=n)
    counts = jax.ops.segment_sum(jnp.ones((edge_index.shape[1],), dtype=x.dtype), dst, num_segments=n)
    agg = summed / jnp.clip(counts, 1.0, None)[:, None]
    return agg @ W_l + x @ W_r + b

def reference(x, edge_index, W1_l, W1_r, b1, W2_l, W2_r, b2):
    h = _sage_conv(x, edge_index, W1_l, W1_r, b1)
    h = jax.nn.relu(h)
    out = _sage_conv(h, edge_index, W2_l, W2_r, b2)
    return out

if __name__ == "__main__":
    import jax
    _d = setup_inputs()
    print(jax.jit(kernel)(*tuple(_d.values())))

</pallas_src>

<mosaic_0001>
#map = affine_map<(d0, d1) -> (0, 0)>
#map1 = affine_map<(d0, d1) -> (0, 0, 0, 0)>
#map2 = affine_map<(d0, d1) -> (0, 0, 0)>
module attributes {stable_mosaic.version = 14 : i64} {
  func.func @_seg_body(%arg0: i32, %arg1: i32, %arg2: memref<10000x128xf32, #tpu.memory_space<hbm>>, %arg3: memref<32x2x40x125xi32, #tpu.memory_space<hbm>>, %arg4: memref<32x2x40x125xi32, #tpu.memory_space<hbm>>, %arg5: memref<2x10240x128xf32, #tpu.memory_space<hbm>>, %arg6: memref<2x10240xf32, #tpu.memory_space<hbm>>, %arg7: memref<125x128xf32, #tpu.memory_space<vmem>>, %arg8: memref<125x128xf32, #tpu.memory_space<vmem>>, %arg9: memref<40x125xi32, #tpu.memory_space<vmem>>, %arg10: memref<40x125xi32, #tpu.memory_space<vmem>>, %arg11: memref<125xf32, #tpu.memory_space<vmem>>, %arg12: memref<640xf32, #tpu.memory_space<vmem>>, %arg13: memref<10240x128xf32, #tpu.memory_space<vmem_shared>>, %arg14: memref<10240xf32, #tpu.memory_space<vmem_shared>>, %arg15: memref<!tpu.dma_semaphore, #tpu.memory_space<semaphore_mem>>, %arg16: memref<!tpu.dma_semaphore, #tpu.memory_space<semaphore_mem>>) attributes {dimension_semantics = [#tpu.dimension_semantics<core_parallel>, #tpu.dimension_semantics<subcore_parallel>], iteration_bounds = array<i64: 2, 16>, scalar_prefetch = 0 : i64, scratch_operands = 10 : i64, tpu.core_type = #tpu.core_type<sc_vector_subcore>, window_params = [{transform_indices = #map}, {transform_indices = #map1}, {transform_indices = #map1}, {transform_indices = #map2}, {transform_indices = #map}]} {
    %broadcast_in_dim3A = arith.constant 0.000000e+00 : f32
    %broadcast_in_dim3A_0 = vector.broadcast %broadcast_in_dim3A : f32 to vector<16xf32>
    %broadcast_in_dim3A_1 = arith.constant 1.000000e+00 : f32
    %broadcast_in_dim3A_2 = vector.broadcast %broadcast_in_dim3A_1 : f32 to vector<16xf32>
    %mul3A = arith.constant 2 : i32
    %mul3A_3 = arith.muli %arg1, %mul3A : i32
    %add3A = arith.addi %mul3A_3, %arg0 : i32
    %mul3A_4 = arith.constant 640 : i32
    %mul3A_5 = arith.muli %arg1, %mul3A_4 : i32
    %scan3A = arith.constant 0 : i32
    %scan3A_6 = arith.constant 0 : i32
    %scan3A_7 = arith.constant 1000 : i32
    %scan3A_8 = arith.addi %scan3A_6, %scan3A_7 : i32
    %scan3A_9 = arith.constant 1 : i32
    %scan3A_10 = scf.for %scan3A_69 = %scan3A_6 to %scan3A_8 step %scan3A_9 iter_args(%scan3A_70 = %scan3A) -> (i32)  : i32 {
      %jit3A = arith.constant 8 : i32
      %div3A = arith.divsi %scan3A_69, %jit3A : i32
      %sign3A = arith.constant 0 : i32
      %sign3A_71 = arith.cmpi sgt, %scan3A_69, %sign3A : i32
      %sign3A_72 = arith.extui %sign3A_71 : i1 to i32
      %sign3A_73 = arith.constant 0 : i32
      %sign3A_74 = arith.cmpi slt, %scan3A_69, %sign3A_73 : i32
      %sign3A_75 = arith.extui %sign3A_74 : i1 to i32
      %sign3A_76 = arith.subi %sign3A_72, %sign3A_75 : i32
      %sign3A_77 = arith.constant 0 : i32
      %sign3A_78 = arith.cmpi sgt, %jit3A, %sign3A_77 : i32
      %sign3A_79 = arith.extui %sign3A_78 : i1 to i32
      %sign3A_80 = arith.constant 0 : i32
      %sign3A_81 = arith.cmpi slt, %jit3A, %sign3A_80 : i32
      %sign3A_82 = arith.extui %sign3A_81 : i1 to i32
      %sign3A_83 = arith.subi %sign3A_79, %sign3A_82 : i32
      %ne3A = arith.cmpi ne, %sign3A_76, %sign3A_83 : i32
      %rem3A = arith.remsi %scan3A_69, %jit3A : i32
      %ne3A_84 = arith.constant 0 : i32
      %ne3A_85 = arith.cmpi ne, %rem3A, %ne3A_84 : i32
      %and3A = arith.andi %ne3A, %ne3A_85 : i1
      %sub3A = arith.constant 1 : i32
      %sub3A_86 = arith.subi %div3A, %sub3A : i32
      %select_n3A = arith.select %and3A, %sub3A_86, %div3A : i32
      %jit3A_87 = arith.constant 8 : i32
      %eq3A = arith.constant 0 : i32
      %eq3A_88 = arith.cmpi eq, %jit3A_87, %eq3A : i32
      %jit3A_89 = arith.constant 1 : i32
      %select_n3A_90 = arith.select %eq3A_88, %jit3A_89, %jit3A_87 : i32
      %rem3A_91 = arith.remsi %scan3A_69, %select_n3A_90 : i32
      %ne3A_92 = arith.constant 0 : i32
      %ne3A_93 = arith.cmpi ne, %rem3A_91, %ne3A_92 : i32
      %lt3A = arith.constant 0 : i32
      %lt3A_94 = arith.cmpi slt, %rem3A_91, %lt3A : i32
      %lt3A_95 = arith.constant 0 : i32
      %lt3A_96 = arith.cmpi slt, %select_n3A_90, %lt3A_95 : i32
      %ne3A_97 = arith.xori %lt3A_94, %lt3A_96 : i1
      %and3A_98 = arith.andi %ne3A_97, %ne3A_93 : i1
      %add3A_99 = arith.addi %rem3A_91, %select_n3A_90 : i32
      %select_n3A_100 = arith.select %and3A_98, %add3A_99, %rem3A_91 : i32
      %mul3A_101 = arith.constant 16 : i32
      %mul3A_102 = arith.muli %select_n3A_100, %mul3A_101 : i32
      %swap3A = arith.index_cast %select_n3A : i32 to index
      %swap3A_103 = arith.index_cast %mul3A_102 : i32 to index
      %swap3A_104 = tpu.vector_load %arg7[%swap3A, %swap3A_103] {strides = array<i32>} : memref<125x128xf32, #tpu.memory_space<vmem>>, vector<1x16xf32>,
      %swap3A_105 = vector.shape_cast %swap3A_104 : vector<1x16xf32> to vector<16xf32>
      %swap3A_106 = vector.shape_cast %broadcast_in_dim3A_0 : vector<16xf32> to vector<1x16xf32>
      tpu.vector_store %arg7[%swap3A, %swap3A_103], %swap3A_106 {strides = array<i32>} : memref<125x128xf32, #tpu.memory_space<vmem>>, vector<1x16xf32>,
      %scan3A_107 = arith.constant 0 : i32
      scf.yield %scan3A_107 : i32
    }
    %scan3A_11 = arith.constant 1000 : i32
    %add3A_12 = arith.constant 0 : i32
    %add3A_13 = arith.addi %mul3A_5, %add3A_12 : i32
    "tpu.region"() ({
      %run_scoped3A_69 = tpu.sem_alloc : memref<!tpu.dma_semaphore, #tpu.memory_space<semaphore_mem>>
      %dma_start3A_70 = arith.constant 0 : i32
      %dma_start3A_71 = tpu.memref_slice %arg13[%add3A_13, %dma_start3A_70] : memref<10240x128xf32, #tpu.memory_space<vmem_shared>> -> memref<125x128xf32, #tpu.memory_space<vmem_shared>>
      %dma_start3A_72 = arith.constant 0 : i32
      %dma_start3A_73 = tpu.memref_slice %arg13[%add3A_13, %dma_start3A_72] : memref<10240x128xf32, #tpu.memory_space<vmem_shared>> -> memref<125x128xf32, #tpu.memory_space<vmem_shared>>
      tpu.enqueue_dma source(%arg7 : memref<125x128xf32, #tpu.memory_space<vmem>>) target(%dma_start3A_73 : memref<125x128xf32, #tpu.memory_space<vmem_shared>>) target_semaphore(%run_scoped3A_69 : memref<!tpu.dma_semaphore, #tpu.memory_space<semaphore_mem>>)
      %dma_wait3A = arith.constant 0 : i32
      %dma_wait3A_74 = tpu.memref_slice %arg13[%add3A_13, %dma_wait3A] : memref<10240x128xf32, #tpu.memory_space<vmem_shared>> -> memref<125x128xf32, #tpu.memory_space<vmem_shared>>
      %dma_wait3A_75 = arith.constant 0 : i32
      %dma_wait3A_76 = tpu.memref_slice %arg13[%add3A_13, %dma_wait3A_75] : memref<10240x128xf32, #tpu.memory_space<vmem_shared>> -> memref<125x128xf32, #tpu.memory_space<vmem_shared>>
      tpu.wait_dma2 semaphore(%run_scoped3A_69 : memref<!tpu.dma_semaphore, #tpu.memory_space<semaphore_mem>>) src(%arg7 : memref<125x128xf32, #tpu.memory_space<vmem>>) dst(%dma_wait3A_76 : memref<125x128xf32, #tpu.memory_space<vmem_shared>>)
      tpu.yield
    }) : () -> ()
    %add3A_14 = arith.constant 125 : i32
    %add3A_15 = arith.addi %mul3A_5, %add3A_14 : i32
    "tpu.region"() ({
      %run_scoped3A_69 = tpu.sem_alloc : memref<!tpu.dma_semaphore, #tpu.memory_space<semaphore_mem>>
      %dma_start3A_70 = arith.constant 0 : i32
      %dma_start3A_71 = tpu.memref_slice %arg13[%add3A_15, %dma_start3A_70] : memref<10240x128xf32, #tpu.memory_space<vmem_shared>> -> memref<125x128xf32, #tpu.memory_space<vmem_shared>>
      %dma_start3A_72 = arith.constant 0 : i32
      %dma_start3A_73 = tpu.memref_slice %arg13[%add3A_15, %dma_start3A_72] : memref<10240x128xf32, #tpu.memory_space<vmem_shared>> -> memref<125x128xf32, #tpu.memory_space<vmem_shared>>
      tpu.enqueue_dma source(%arg7 : memref<125x128xf32, #tpu.memory_space<vmem>>) target(%dma_start3A_73 : memref<125x128xf32, #tpu.memory_space<vmem_shared>>) target_semaphore(%run_scoped3A_69 : memref<!tpu.dma_semaphore, #tpu.memory_space<semaphore_mem>>)
      %dma_wait3A = arith.constant 0 : i32
      %dma_wait3A_74 = tpu.memref_slice %arg13[%add3A_15, %dma_wait3A] : memref<10240x128xf32, #tpu.memory_space<vmem_shared>> -> memref<125x128xf32, #tpu.memory_space<vmem_shared>>
      %dma_wait3A_75 = arith.constant 0 : i32
      %dma_wait3A_76 = tpu.memref_slice %arg13[%add3A_15, %dma_wait3A_75] : memref<10240x128xf32, #tpu.memory_space<vmem_shared>> -> memref<125x128xf32, #tpu.memory_space<vmem_shared>>
      tpu.wait_dma2 semaphore(%run_scoped3A_69 : memref<!tpu.dma_semaphore, #tpu.memory_space<semaphore_mem>>) src(%arg7 : memref<125x128xf32, #tpu.memory_space<vmem>>) dst(%dma_wait3A_76 : memref<125x128xf32, #tpu.memory_space<vmem_shared>>)
      tpu.yield
    }) : () -> ()
    %add3A_16 = arith.constant 250 : i32
    %add3A_17 = arith.addi %mul3A_5, %add3A_16 : i32
    "tpu.region"() ({
      %run_scoped3A_69 = tpu.sem_alloc : memref<!tpu.dma_semaphore, #tpu.memory_space<semaphore_mem>>
      %dma_start3A_70 = arith.constant 0 : i32
      %dma_start3A_71 = tpu.memref_slice %arg13[%add3A_17, %dma_start3A_70] : memref<10240x128xf32, #tpu.memory_space<vmem_shared>> -> memref<125x128xf32, #tpu.memory_space<vmem_shared>>
      %dma_start3A_72 = arith.constant 0 : i32
      %dma_start3A_73 = tpu.memref_slice %arg13[%add3A_17, %dma_start3A_72] : memref<10240x128xf32, #tpu.memory_space<vmem_shared>> -> memref<125x128xf32, #tpu.memory_space<vmem_shared>>
      tpu.enqueue_dma source(%arg7 : memref<125x128xf32, #tpu.memory_space<vmem>>) target(%dma_start3A_73 : memref<125x128xf32, #tpu.memory_space<vmem_shared>>) target_semaphore(%run_scoped3A_69 : memref<!tpu.dma_semaphore, #tpu.memory_space<semaphore_mem>>)
      %dma_wait3A = arith.constant 0 : i32
      %dma_wait3A_74 = tpu.memref_slice %arg13[%add3A_17, %dma_wait3A] : memref<10240x128xf32, #tpu.memory_space<vmem_shared>> -> memref<125x128xf32, #tpu.memory_space<vmem_shared>>
      %dma_wait3A_75 = arith.constant 0 : i32
      %dma_wait3A_76 = tpu.memref_slice %arg13[%add3A_17, %dma_wait3A_75] : memref<10240x128xf32, #tpu.memory_space<vmem_shared>> -> memref<125x128xf32, #tpu.memory_space<vmem_shared>>
      tpu.wait_dma2 semaphore(%run_scoped3A_69 : memref<!tpu.dma_semaphore, #tpu.memory_space<semaphore_mem>>) src(%arg7 : memref<125x128xf32, #tpu.memory_space<vmem>>) dst(%dma_wait3A_76 : memref<125x128xf32, #tpu.memory_space<vmem_shared>>)
      tpu.yield
    }) : () -> ()
    %add3A_18 = arith.constant 375 : i32
    %add3A_19 = arith.addi %mul3A_5, %add3A_18 : i32
    "tpu.region"() ({
      %run_scoped3A_69 = tpu.sem_alloc : memref<!tpu.dma_semaphore, #tpu.memory_space<semaphore_mem>>
      %dma_start3A_70 = arith.constant 0 : i32
      %dma_start3A_71 = tpu.memref_slice %arg13[%add3A_19, %dma_start3A_70] : memref<10240x128xf32, #tpu.memory_space<vmem_shared>> -> memref<125x128xf32, #tpu.memory_space<vmem_shared>>
      %dma_start3A_72 = arith.constant 0 : i32
      %dma_start3A_73 = tpu.memref_slice %arg13[%add3A_19, %dma_start3A_72] : memref<10240x128xf32, #tpu.memory_space<vmem_shared>> -> memref<125x128xf32, #tpu.memory_space<vmem_shared>>
      tpu.enqueue_dma source(%arg7 : memref<125x128xf32, #tpu.memory_space<vmem>>) target(%dma_start3A_73 : memref<125x128xf32, #tpu.memory_space<vmem_shared>>) target_semaphore(%run_scoped3A_69 : memref<!tpu.dma_semaphore, #tpu.memory_space<semaphore_mem>>)
      %dma_wait3A = arith.constant 0 : i32
      %dma_wait3A_74 = tpu.memref_slice %arg13[%add3A_19, %dma_wait3A] : memref<10240x128xf32, #tpu.memory_space<vmem_shared>> -> memref<125x128xf32, #tpu.memory_space<vmem_shared>>
      %dma_wait3A_75 = arith.constant 0 : i32
      %dma_wait3A_76 = tpu.memref_slice %arg13[%add3A_19, %dma_wait3A_75] : memref<10240x128xf32, #tpu.memory_space<vmem_shared>> -> memref<125x128xf32, #tpu.memory_space<vmem_shared>>
      tpu.wait_dma2 semaphore(%run_scoped3A_69 : memref<!tpu.dma_semaphore, #tpu.memory_space<semaphore_mem>>) src(%arg7 : memref<125x128xf32, #tpu.memory_space<vmem>>) dst(%dma_wait3A_76 : memref<125x128xf32, #tpu.memory_space<vmem_shared>>)
      tpu.yield
    }) : () -> ()
    %add3A_20 = arith.constant 500 : i32
    %add3A_21 = arith.addi %mul3A_5, %add3A_20 : i32
    "tpu.region"() ({
      %run_scoped3A_69 = tpu.sem_alloc : memref<!tpu.dma_semaphore, #tpu.memory_space<semaphore_mem>>
      %dma_start3A_70 = arith.constant 0 : i32
      %dma_start3A_71 = tpu.memref_slice %arg13[%add3A_21, %dma_start3A_70] : memref<10240x128xf32, #tpu.memory_space<vmem_shared>> -> memref<125x128xf32, #tpu.memory_space<vmem_shared>>
      %dma_start3A_72 = arith.constant 0 : i32
      %dma_start3A_73 = tpu.memref_slice %arg13[%add3A_21, %dma_start3A_72] : memref<10240x128xf32, #tpu.memory_space<vmem_shared>> -> memref<125x128xf32, #tpu.memory_space<vmem_shared>>
      tpu.enqueue_dma source(%arg7 : memref<125x128xf32, #tpu.memory_space<vmem>>) target(%dma_start3A_73 : memref<125x128xf32, #tpu.memory_space<vmem_shared>>) target_semaphore(%run_scoped3A_69 : memref<!tpu.dma_semaphore, #tpu.memory_space<semaphore_mem>>)
      %dma_wait3A = arith.constant 0 : i32
      %dma_wait3A_74 = tpu.memref_slice %arg13[%add3A_21, %dma_wait3A] : memref<10240x128xf32, #tpu.memory_space<vmem_shared>> -> memref<125x128xf32, #tpu.memory_space<vmem_shared>>
      %dma_wait3A_75 = arith.constant 0 : i32
      %dma_wait3A_76 = tpu.memref_slice %arg13[%add3A_21, %dma_wait3A_75] : memref<10240x128xf32, #tpu.memory_space<vmem_shared>> -> memref<125x128xf32, #tpu.memory_space<vmem_shared>>
      tpu.wait_dma2 semaphore(%run_scoped3A_69 : memref<!tpu.dma_semaphore, #tpu.memory_space<semaphore_mem>>) src(%arg7 : memref<125x128xf32, #tpu.memory_space<vmem>>) dst(%dma_wait3A_76 : memref<125x128xf32, #tpu.memory_space<vmem_shared>>)
      tpu.yield
    }) : () -> ()
    %add3A_22 = arith.constant 625 : i32
    %add3A_23 = arith.addi %mul3A_5, %add3A_22 : i32
    "tpu.region"() ({
      %run_scoped3A_69 = tpu.sem_alloc : memref<!tpu.dma_semaphore, #tpu.memory_space<semaphore_mem>>
      %dma_start3A_70 = arith.constant 0 : i32
      %dma_start3A_71 = arith.constant 0 : i32
      %dma_start3A_72 = tpu.memref_slice %arg7[%dma_start3A_70, %dma_start3A_71] : memref<125x128xf32, #tpu.memory_space<vmem>> -> memref<15x128xf32, #tpu.memory_space<vmem>>
      %dma_start3A_73 = arith.constant 0 : i32
      %dma_start3A_74 = tpu.memref_slice %arg13[%add3A_23, %dma_start3A_73] : memref<10240x128xf32, #tpu.memory_space<vmem_shared>> -> memref<15x128xf32, #tpu.memory_space<vmem_shared>>
      %dma_start3A_75 = arith.constant 0 : i32
      %dma_start3A_76 = tpu.memref_slice %arg13[%add3A_23, %dma_start3A_75] : memref<10240x128xf32, #tpu.memory_space<vmem_shared>> -> memref<15x128xf32, #tpu.memory_space<vmem_shared>>
      %dma_start3A_77 = arith.constant 0 : i32
      %dma_start3A_78 = arith.constant 0 : i32
      %dma_start3A_79 = tpu.memref_slice %arg7[%dma_start3A_77, %dma_start3A_78] : memref<125x128xf32, #tpu.memory_space<vmem>> -> memref<15x128xf32, #tpu.memory_space<vmem>>
      tpu.enqueue_dma source(%dma_start3A_79 : memref<15x128xf32, #tpu.memory_space<vmem>>) target(%dma_start3A_76 : memref<15x128xf32, #tpu.memory_space<vmem_shared>>) target_semaphore(%run_scoped3A_69 : memref<!tpu.dma_semaphore, #tpu.memory_space<semaphore_mem>>)
      %dma_wait3A = arith.constant 0 : i32
      %dma_wait3A_80 = arith.constant 0 : i32
      %dma_wait3A_81 = tpu.memref_slice %arg7[%dma_wait3A, %dma_wait3A_80] : memref<125x128xf32, #tpu.memory_space<vmem>> -> memref<15x128xf32, #tpu.memory_space<vmem>>
      %dma_wait3A_82 = arith.constant 0 : i32
      %dma_wait3A_83 = tpu.memref_slice %arg13[%add3A_23, %dma_wait3A_82] : memref<10240x128xf32, #tpu.memory_space<vmem_shared>> -> memref<15x128xf32, #tpu.memory_space<vmem_shared>>
      %dma_wait3A_84 = arith.constant 0 : i32
      %dma_wait3A_85 = tpu.memref_slice %arg13[%add3A_23, %dma_wait3A_84] : memref<10240x128xf32, #tpu.memory_space<vmem_shared>> -> memref<15x128xf32, #tpu.memory_space<vmem_shared>>
      %dma_wait3A_86 = arith.constant 0 : i32
      %dma_wait3A_87 = arith.constant 0 : i32
      %dma_wait3A_88 = tpu.memref_slice %arg7[%dma_wait3A_86, %dma_wait3A_87] : memref<125x128xf32, #tpu.memory_space<vmem>> -> memref<15x128xf32, #tpu.memory_space<vmem>>
      tpu.wait_dma2 semaphore(%run_scoped3A_69 : memref<!tpu.dma_semaphore, #tpu.memory_space<semaphore_mem>>) src(%dma_wait3A_88 : memref<15x128xf32, #tpu.memory_space<vmem>>) dst(%dma_wait3A_85 : memref<15x128xf32, #tpu.memory_space<vmem_shared>>)
      tpu.yield
    }) : () -> ()
    %barrier3A = arith.constant 0 : index
    tpu.barrier barrier_id(%barrier3A)
    %run_scoped3A = arith.constant 0 : i32
    "tpu.region"() ({
      %run_scoped3A_69 = tpu.sem_alloc : memref<!tpu.dma_semaphore, #tpu.memory_space<semaphore_mem>>
      %dma_start3A_70 = arith.constant 0 : i32
      %dma_start3A_71 = arith.constant 0 : i32
      %dma_start3A_72 = tpu.memref_slice %arg3[%add3A, %run_scoped3A, %dma_start3A_70, %dma_start3A_71] : memref<32x2x40x125xi32, #tpu.memory_space<hbm>> -> memref<1x1x40x125xi32, #tpu.memory_space<hbm>>
      %dma_start3A_73 = tpu.memref_squeeze %dma_start3A_72 : memref<1x1x40x125xi32, #tpu.memory_space<hbm>> -> memref<40x125xi32, #tpu.memory_space<hbm>>
      %dma_start3A_74 = arith.constant 0 : i32
      %dma_start3A_75 = arith.constant 0 : i32
      %dma_start3A_76 = tpu.memref_slice %arg3[%add3A, %run_scoped3A, %dma_start3A_74, %dma_start3A_75] : memref<32x2x40x125xi32, #tpu.memory_space<hbm>> -> memref<1x1x40x125xi32, #tpu.memory_space<hbm>>
      %dma_start3A_77 = tpu.memref_squeeze %dma_start3A_76 : memref<1x1x40x125xi32, #tpu.memory_space<hbm>> -> memref<40x125xi32, #tpu.memory_space<hbm>>
      tpu.enqueue_dma source(%dma_start3A_77 : memref<40x125xi32, #tpu.memory_space<hbm>>) target(%arg9 : memref<40x125xi32, #tpu.memory_space<vmem>>) target_semaphore(%run_scoped3A_69 : memref<!tpu.dma_semaphore, #tpu.memory_space<semaphore_mem>>)
      %dma_wait3A = arith.constant 0 : i32
      %dma_wait3A_78 = arith.constant 0 : i32
      %dma_wait3A_79 = tpu.memref_slice %arg3[%add3A, %run_scoped3A, %dma_wait3A, %dma_wait3A_78] : memref<32x2x40x125xi32, #tpu.memory_space<hbm>> -> memref<1x1x40x125xi32, #tpu.memory_space<hbm>>
      %dma_wait3A_80 = tpu.memref_squeeze %dma_wait3A_79 : memref<1x1x40x125xi32, #tpu.memory_space<hbm>> -> memref<40x125xi32, #tpu.memory_space<hbm>>
      %dma_wait3A_81 = arith.constant 0 : i32
      %dma_wait3A_82 = arith.constant 0 : i32
      %dma_wait3A_83 = tpu.memref_slice %arg3[%add3A, %run_scoped3A, %dma_wait3A_81, %dma_wait3A_82] : memref<32x2x40x125xi32, #tpu.memory_space<hbm>> -> memref<1x1x40x125xi32, #tpu.memory_space<hbm>>
      %dma_wait3A_84 = tpu.memref_squeeze %dma_wait3A_83 : memref<1x1x40x125xi32, #tpu.memory_space<hbm>> -> memref<40x125xi32, #tpu.memory_space<hbm>>
      tpu.wait_dma2 semaphore(%run_scoped3A_69 : memref<!tpu.dma_semaphore, #tpu.memory_space<semaphore_mem>>) src(%dma_wait3A_84 : memref<40x125xi32, #tpu.memory_space<hbm>>) dst(%arg9 : memref<40x125xi32, #tpu.memory_space<vmem>>)
      tpu.yield
    }) : () -> ()
    %run_scoped3A_24 = arith.constant 0 : i32
    "tpu.region"() ({
      %run_scoped3A_69 = tpu.sem_alloc : memref<!tpu.dma_semaphore, #tpu.memory_space<semaphore_mem>>
      %dma_start3A_70 = arith.constant 0 : i32
      %dma_start3A_71 = arith.constant 0 : i32
      %dma_start3A_72 = tpu.memref_slice %arg4[%add3A, %run_scoped3A_24, %dma_start3A_70, %dma_start3A_71] : memref<32x2x40x125xi32, #tpu.memory_space<hbm>> -> memref<1x1x40x125xi32, #tpu.memory_space<hbm>>
      %dma_start3A_73 = tpu.memref_squeeze %dma_start3A_72 : memref<1x1x40x125xi32, #tpu.memory_space<hbm>> -> memref<40x125xi32, #tpu.memory_space<hbm>>
      %dma_start3A_74 = arith.constant 0 : i32
      %dma_start3A_75 = arith.constant 0 : i32
      %dma_start3A_76 = tpu.memref_slice %arg4[%add3A, %run_scoped3A_24, %dma_start3A_74, %dma_start3A_75] : memref<32x2x40x125xi32, #tpu.memory_space<hbm>> -> memref<1x1x40x125xi32, #tpu.memory_space<hbm>>
      %dma_start3A_77 = tpu.memref_squeeze %dma_start3A_76 : memref<1x1x40x125xi32, #tpu.memory_space<hbm>> -> memref<40x125xi32, #tpu.memory_space<hbm>>
      tpu.enqueue_dma source(%dma_start3A_77 : memref<40x125xi32, #tpu.memory_space<hbm>>) target(%arg10 : memref<40x125xi32, #tpu.memory_space<vmem>>) target_semaphore(%run_scoped3A_69 : memref<!tpu.dma_semaphore, #tpu.memory_space<semaphore_mem>>)
      %dma_wait3A = arith.constant 0 : i32
      %dma_wait3A_78 = arith.constant 0 : i32
      %dma_wait3A_79 = tpu.memref_slice %arg4[%add3A, %run_scoped3A_24, %dma_wait3A, %dma_wait3A_78] : memref<32x2x40x125xi32, #tpu.memory_space<hbm>> -> memref<1x1x40x125xi32, #tpu.memory_space<hbm>>
      %dma_wait3A_80 = tpu.memref_squeeze %dma_wait3A_79 : memref<1x1x40x125xi32, #tpu.memory_space<hbm>> -> memref<40x125xi32, #tpu.memory_space<hbm>>
      %dma_wait3A_81 = arith.constant 0 : i32
      %dma_wait3A_82 = arith.constant 0 : i32
      %dma_wait3A_83 = tpu.memref_slice %arg4[%add3A, %run_scoped3A_24, %dma_wait3A_81, %dma_wait3A_82] : memref<32x2x40x125xi32, #tpu.memory_space<hbm>> -> memref<1x1x40x125xi32, #tpu.memory_space<hbm>>
      %dma_wait3A_84 = tpu.memref_squeeze %dma_wait3A_83 : memref<1x1x40x125xi32, #tpu.memory_space<hbm>> -> memref<40x125xi32, #tpu.memory_space<hbm>>
      tpu.wait_dma2 semaphore(%run_scoped3A_69 : memref<!tpu.dma_semaphore, #tpu.memory_space<semaphore_mem>>) src(%dma_wait3A_84 : memref<40x125xi32, #tpu.memory_space<hbm>>) dst(%arg10 : memref<40x125xi32, #tpu.memory_space<vmem>>)
      tpu.yield
    }) : () -> ()
    %dma_start3A = arith.constant 0 : i32
    %dma_start3A_25 = arith.constant 0 : i32
    %dma_start3A_26 = tpu.memref_slice %arg9[%dma_start3A, %dma_start3A_25] : memref<40x125xi32, #tpu.memory_space<vmem>> -> memref<1x125xi32, #tpu.memory_space<vmem>>
    %dma_start3A_27 = tpu.memref_squeeze %dma_start3A_26 : memref<1x125xi32, #tpu.memory_space<vmem>> -> memref<125xi32, #tpu.memory_space<vmem>>
    %dma_start3A_28 = arith.constant 0 : i32
    %dma_start3A_29 = arith.constant 0 : i32
    %dma_start3A_30 = tpu.memref_slice %arg2[%dma_start3A_28, %dma_start3A_29] : memref<10000x128xf32, #tpu.memory_space<hbm>> -> memref<10000x128xf32, #tpu.memory_space<hbm>>
    tpu.enqueue_indirect_dma source(%dma_start3A_30 : memref<10000x128xf32, #tpu.memory_space<hbm>>) target(%arg7 : memref<125x128xf32, #tpu.memory_space<vmem>>) offsets(%dma_start3A_27 : memref<125xi32, #tpu.memory_space<vmem>>) semaphore(%arg15 : memref<!tpu.dma_semaphore, #tpu.memory_space<semaphore_mem>>)
    %dma_start3A_31 = arith.constant 1 : i32
    %dma_start3A_32 = arith.constant 0 : i32
    %dma_start3A_33 = tpu.memref_slice %arg9[%dma_start3A_31, %dma_start3A_32] : memref<40x125xi32, #tpu.memory_space<vmem>> -> memref<1x125xi32, #tpu.memory_space<vmem>>
    %dma_start3A_34 = tpu.memref_squeeze %dma_start3A_33 : memref<1x125xi32, #tpu.memory_space<vmem>> -> memref<125xi32, #tpu.memory_space<vmem>>
    %dma_start3A_35 = arith.constant 0 : i32
    %dma_start3A_36 = arith.constant 0 : i32
    %dma_start3A_37 = tpu.memref_slice %arg2[%dma_start3A_35, %dma_start3A_36] : memref<10000x128xf32, #tpu.memory_space<hbm>> -> memref<10000x128xf32, #tpu.memory_space<hbm>>
    tpu.enqueue_indirect_dma source(%dma_start3A_37 : memref<10000x128xf32, #tpu.memory_space<hbm>>) target(%arg8 : memref<125x128xf32, #tpu.memory_space<vmem>>) offsets(%dma_start3A_34 : memref<125xi32, #tpu.memory_space<vmem>>) semaphore(%arg16 : memref<!tpu.dma_semaphore, #tpu.memory_space<semaphore_mem>>)
    %scan3A_38 = arith.constant 0 : i32
    %scan3A_39 = arith.constant 0 : i32
    %scan3A_40 = arith.constant 20 : i32
    %scan3A_41 = arith.addi %scan3A_39, %scan3A_40 : i32
    %scan3A_42 = arith.constant 1 : i32
    %scan3A_43 = scf.for %scan3A_69 = %scan3A_39 to %scan3A_41 step %scan3A_42 iter_args(%scan3A_70 = %scan3A_38) -> (i32)  : i32 {
      %mul3A_71 = arith.constant 2 : i32
      %mul3A_72 = arith.muli %mul3A_71, %scan3A_69 : i32
      %add3A_73 = arith.constant 0 : i32
      %add3A_74 = arith.addi %mul3A_72, %add3A_73 : i32
      %dma_wait3A = arith.constant 0 : i32
      %dma_wait3A_75 = tpu.memref_slice %arg9[%add3A_74, %dma_wait3A] : memref<40x125xi32, #tpu.memory_space<vmem>> -> memref<1x125xi32, #tpu.memory_space<vmem>>
      %dma_wait3A_76 = tpu.memref_squeeze %dma_wait3A_75 : memref<1x125xi32, #tpu.memory_space<vmem>> -> memref<125xi32, #tpu.memory_space<vmem>>
      %dma_wait3A_77 = arith.constant 0 : i32
      %dma_wait3A_78 = arith.constant 0 : i32
      %dma_wait3A_79 = tpu.memref_slice %arg2[%dma_wait3A_77, %dma_wait3A_78] : memref<10000x128xf32, #tpu.memory_space<hbm>> -> memref<10000x128xf32, #tpu.memory_space<hbm>>
      tpu.wait_indirect_dma semaphore(%arg15 : memref<!tpu.dma_semaphore, #tpu.memory_space<semaphore_mem>>) src(%dma_wait3A_79 : memref<10000x128xf32, #tpu.memory_space<hbm>>) dst(%arg7 : memref<125x128xf32, #tpu.memory_space<vmem>>)
      "tpu.region"() ({
        %run_scoped3A_102 = tpu.sem_alloc : memref<!tpu.dma_semaphore, #tpu.memory_space<semaphore_mem>>
        %dma_start3A_103 = arith.constant 0 : i32
        %dma_start3A_104 = tpu.memref_slice %arg10[%add3A_74, %dma_start3A_103] : memref<40x125xi32, #tpu.memory_space<vmem>> -> memref<1x125xi32, #tpu.memory_space<vmem>>
        %dma_start3A_105 = tpu.memref_squeeze %dma_start3A_104 : memref<1x125xi32, #tpu.memory_space<vmem>> -> memref<125xi32, #tpu.memory_space<vmem>>
        %dma_start3A_106 = arith.constant 0 : i32
        %dma_start3A_107 = arith.constant 0 : i32
        %dma_start3A_108 = tpu.memref_slice %arg13[%dma_start3A_106, %dma_start3A_107] : memref<10240x128xf32, #tpu.memory_space<vmem_shared>> -> memref<10240x128xf32, #tpu.memory_space<vmem_shared>>
        tpu.enqueue_indirect_dma source(%arg7 : memref<125x128xf32, #tpu.memory_space<vmem>>) target(%dma_start3A_108 : memref<10240x128xf32, #tpu.memory_space<vmem_shared>>) offsets(%dma_start3A_105 : memref<125xi32, #tpu.memory_space<vmem>>) semaphore(%run_scoped3A_102 : memref<!tpu.dma_semaphore, #tpu.memory_space<semaphore_mem>>) {add = true}
        %dma_wait3A_109 = arith.constant 0 : i32
        %dma_wait3A_110 = tpu.memref_slice %arg10[%add3A_74, %dma_wait3A_109] : memref<40x125xi32, #tpu.memory_space<vmem>> -> memref<1x125xi32, #tpu.memory_space<vmem>>
        %dma_wait3A_111 = tpu.memref_squeeze %dma_wait3A_110 : memref<1x125xi32, #tpu.memory_space<vmem>> -> memref<125xi32, #tpu.memory_space<vmem>>
        %dma_wait3A_112 = arith.constant 0 : i32
        %dma_wait3A_113 = arith.constant 0 : i32
        %dma_wait3A_114 = tpu.memref_slice %arg13[%dma_wait3A_112, %dma_wait3A_113] : memref<10240x128xf32, #tpu.memory_space<vmem_shared>> -> memref<10240x128xf32, #tpu.memory_space<vmem_shared>>
        tpu.wait_indirect_dma semaphore(%run_scoped3A_102 : memref<!tpu.dma_semaphore, #tpu.memory_space<semaphore_mem>>) src(%arg7 : memref<125x128xf32, #tpu.memory_space<vmem>>) dst(%dma_wait3A_114 : memref<10240x128xf32, #tpu.memory_space<vmem_shared>>)
        tpu.yield
      }) : () -> ()
      %add3A_80 = arith.constant 2 : i32
      %add3A_81 = arith.addi %add3A_74, %add3A_80 : i32
      %lt3A = arith.constant 40 : i32
      %lt3A_82 = arith.cmpi slt, %add3A_81, %lt3A : i32
      %convert_element_type3A = arith.extui %lt3A_82 : i1 to i32
      %cond3A = arith.constant 0 : i32
      %cond3A_83 = arith.cmpi ne, %convert_element_type3A, %cond3A : i32
      scf.if %cond3A_83 {
        %add3A_102 = arith.constant 2 : i32
        %add3A_103 = arith.addi %add3A_74, %add3A_102 : i32
        %dma_start3A_104 = arith.constant 0 : i32
        %dma_start3A_105 = tpu.memref_slice %arg9[%add3A_103, %dma_start3A_104] : memref<40x125xi32, #tpu.memory_space<vmem>> -> memref<1x125xi32, #tpu.memory_space<vmem>>
        %dma_start3A_106 = tpu.memref_squeeze %dma_start3A_105 : memref<1x125xi32, #tpu.memory_space<vmem>> -> memref<125xi32, #tpu.memory_space<vmem>>
        %dma_start3A_107 = arith.constant 0 : i32
        %dma_start3A_108 = arith.constant 0 : i32
        %dma_start3A_109 = tpu.memref_slice %arg2[%dma_start3A_107, %dma_start3A_108] : memref<10000x128xf32, #tpu.memory_space<hbm>> -> memref<10000x128xf32, #tpu.memory_space<hbm>>
        tpu.enqueue_indirect_dma source(%dma_start3A_109 : memref<10000x128xf32, #tpu.memory_space<hbm>>) target(%arg7 : memref<125x128xf32, #tpu.memory_space<vmem>>) offsets(%dma_start3A_106 : memref<125xi32, #tpu.memory_space<vmem>>) semaphore(%arg15 : memref<!tpu.dma_semaphore, #tpu.memory_space<semaphore_mem>>)
      } else {
      }
      %mul3A_84 = arith.constant 2 : i32
      %mul3A_85 = arith.muli %mul3A_84, %scan3A_69 : i32
      %add3A_86 = arith.constant 1 : i32
      %add3A_87 = arith.addi %mul3A_85, %add3A_86 : i32
      %dma_wait3A_88 = arith.constant 0 : i32
      %dma_wait3A_89 = tpu.memref_slice %arg9[%add3A_87, %dma_wait3A_88] : memref<40x125xi32, #tpu.memory_space<vmem>> -> memref<1x125xi32, #tpu.memory_space<vmem>>
      %dma_wait3A_90 = tpu.memref_squeeze %dma_wait3A_89 : memref<1x125xi32, #tpu.memory_space<vmem>> -> memref<125xi32, #tpu.memory_space<vmem>>
      %dma_wait3A_91 = arith.constant 0 : i32
      %dma_wait3A_92 = arith.constant 0 : i32
      %dma_wait3A_93 = tpu.memref_slice %arg2[%dma_wait3A_91, %dma_wait3A_92] : memref<10000x128xf32, #tpu.memory_space<hbm>> -> memref<10000x128xf32, #tpu.memory_space<hbm>>
      tpu.wait_indirect_dma semaphore(%arg16 : memref<!tpu.dma_semaphore, #tpu.memory_space<semaphore_mem>>) src(%dma_wait3A_93 : memref<10000x128xf32, #tpu.memory_space<hbm>>) dst(%arg8 : memref<125x128xf32, #tpu.memory_space<vmem>>)
      "tpu.region"() ({
        %run_scoped3A_102 = tpu.sem_alloc : memref<!tpu.dma_semaphore, #tpu.memory_space<semaphore_mem>>
        %dma_start3A_103 = arith.constant 0 : i32
        %dma_start3A_104 = tpu.memref_slice %arg10[%add3A_87, %dma_start3A_103] : memref<40x125xi32, #tpu.memory_space<vmem>> -> memref<1x125xi32, #tpu.memory_space<vmem>>
        %dma_start3A_105 = tpu.memref_squeeze %dma_start3A_104 : memref<1x125xi32, #tpu.memory_space<vmem>> -> memref<125xi32, #tpu.memory_space<vmem>>
        %dma_start3A_106 = arith.constant 0 : i32
        %dma_start3A_107 = arith.constant 0 : i32
        %dma_start3A_108 = tpu.memref_slice %arg13[%dma_start3A_106, %dma_start3A_107] : memref<10240x128xf32, #tpu.memory_space<vmem_shared>> -> memref<10240x128xf32, #tpu.memory_space<vmem_shared>>
        tpu.enqueue_indirect_dma source(%arg8 : memref<125x128xf32, #tpu.memory_space<vmem>>) target(%dma_start3A_108 : memref<10240x128xf32, #tpu.memory_space<vmem_shared>>) offsets(%dma_start3A_105 : memref<125xi32, #tpu.memory_space<vmem>>) semaphore(%run_scoped3A_102 : memref<!tpu.dma_semaphore, #tpu.memory_space<semaphore_mem>>) {add = true}
        %dma_wait3A_109 = arith.constant 0 : i32
        %dma_wait3A_110 = tpu.memref_slice %arg10[%add3A_87, %dma_wait3A_109] : memref<40x125xi32, #tpu.memory_space<vmem>> -> memref<1x125xi32, #tpu.memory_space<vmem>>
        %dma_wait3A_111 = tpu.memref_squeeze %dma_wait3A_110 : memref<1x125xi32, #tpu.memory_space<vmem>> -> memref<125xi32, #tpu.memory_space<vmem>>
        %dma_wait3A_112 = arith.constant 0 : i32
        %dma_wait3A_113 = arith.constant 0 : i32
        %dma_wait3A_114 = tpu.memref_slice %arg13[%dma_wait3A_112, %dma_wait3A_113] : memref<10240x128xf32, #tpu.memory_space<vmem_shared>> -> memref<10240x128xf32, #tpu.memory_space<vmem_shared>>
        tpu.wait_indirect_dma semaphore(%run_scoped3A_102 : memref<!tpu.dma_semaphore, #tpu.memory_space<semaphore_mem>>) src(%arg8 : memref<125x128xf32, #tpu.memory_space<vmem>>) dst(%dma_wait3A_114 : memref<10240x128xf32, #tpu.memory_space<vmem_shared>>)
        tpu.yield
      }) : () -> ()
      %add3A_94 = arith.constant 2 : i32
      %add3A_95 = arith.addi %add3A_87, %add3A_94 : i32
      %lt3A_96 = arith.constant 40 : i32
      %lt3A_97 = arith.cmpi slt, %add3A_95, %lt3A_96 : i32
      %convert_element_type3A_98 = arith.extui %lt3A_97 : i1 to i32
      %cond3A_99 = arith.constant 0 : i32
      %cond3A_100 = arith.cmpi ne, %convert_element_type3A_98, %cond3A_99 : i32
      scf.if %cond3A_100 {
        %add3A_102 = arith.constant 2 : i32
        %add3A_103 = arith.addi %add3A_87, %add3A_102 : i32
        %dma_start3A_104 = arith.constant 0 : i32
        %dma_start3A_105 = tpu.memref_slice %arg9[%add3A_103, %dma_start3A_104] : memref<40x125xi32, #tpu.memory_space<vmem>> -> memref<1x125xi32, #tpu.memory_space<vmem>>
        %dma_start3A_106 = tpu.memref_squeeze %dma_start3A_105 : memref<1x125xi32, #tpu.memory_space<vmem>> -> memref<125xi32, #tpu.memory_space<vmem>>
        %dma_start3A_107 = arith.constant 0 : i32
        %dma_start3A_108 = arith.constant 0 : i32
        %dma_start3A_109 = tpu.memref_slice %arg2[%dma_start3A_107, %dma_start3A_108] : memref<10000x128xf32, #tpu.memory_space<hbm>> -> memref<10000x128xf32, #tpu.memory_space<hbm>>
        tpu.enqueue_indirect_dma source(%dma_start3A_109 : memref<10000x128xf32, #tpu.memory_space<hbm>>) target(%arg8 : memref<125x128xf32, #tpu.memory_space<vmem>>) offsets(%dma_start3A_106 : memref<125xi32, #tpu.memory_space<vmem>>) semaphore(%arg16 : memref<!tpu.dma_semaphore, #tpu.memory_space<semaphore_mem>>)
      } else {
      }
      %scan3A_101 = arith.constant 0 : i32
      scf.yield %scan3A_101 : i32
    }
    %scan3A_44 = arith.constant 20 : i32
    %run_scoped3A_45 = arith.constant 1 : i32
    "tpu.region"() ({
      %run_scoped3A_69 = tpu.sem_alloc : memref<!tpu.dma_semaphore, #tpu.memory_space<semaphore_mem>>
      %dma_start3A_70 = arith.constant 0 : i32
      %dma_start3A_71 = arith.constant 0 : i32
      %dma_start3A_72 = tpu.memref_slice %arg3[%add3A, %run_scoped3A_45, %dma_start3A_70, %dma_start3A_71] : memref<32x2x40x125xi32, #tpu.memory_space<hbm>> -> memref<1x1x40x125xi32, #tpu.memory_space<hbm>>
      %dma_start3A_73 = tpu.memref_squeeze %dma_start3A_72 : memref<1x1x40x125xi32, #tpu.memory_space<hbm>> -> memref<40x125xi32, #tpu.memory_space<hbm>>
      %dma_start3A_74 = arith.constant 0 : i32
      %dma_start3A_75 = arith.constant 0 : i32
      %dma_start3A_76 = tpu.memref_slice %arg3[%add3A, %run_scoped3A_45, %dma_start3A_74, %dma_start3A_75] : memref<32x2x40x125xi32, #tpu.memory_space<hbm>> -> memref<1x1x40x125xi32, #tpu.memory_space<hbm>>
      %dma_start3A_77 = tpu.memref_squeeze %dma_start3A_76 : memref<1x1x40x125xi32, #tpu.memory_space<hbm>> -> memref<40x125xi32, #tpu.memory_space<hbm>>
      tpu.enqueue_dma source(%dma_start3A_77 : memref<40x125xi32, #tpu.memory_space<hbm>>) target(%arg9 : memref<40x125xi32, #tpu.memory_space<vmem>>) target_semaphore(%run_scoped3A_69 : memref<!tpu.dma_semaphore, #tpu.memory_space<semaphore_mem>>)
      %dma_wait3A = arith.constant 0 : i32
      %dma_wait3A_78 = arith.constant 0 : i32
      %dma_wait3A_79 = tpu.memref_slice %arg3[%add3A, %run_scoped3A_45, %dma_wait3A, %dma_wait3A_78] : memref<32x2x40x125xi32, #tpu.memory_space<hbm>> -> memref<1x1x40x125xi32, #tpu.memory_space<hbm>>
      %dma_wait3A_80 = tpu.memref_squeeze %dma_wait3A_79 : memref<1x1x40x125xi32, #tpu.memory_space<hbm>> -> memref<40x125xi32, #tpu.memory_space<hbm>>
      %dma_wait3A_81 = arith.constant 0 : i32
      %dma_wait3A_82 = arith.constant 0 : i32
      %dma_wait3A_83 = tpu.memref_slice %arg3[%add3A, %run_scoped3A_45, %dma_wait3A_81, %dma_wait3A_82] : memref<32x2x40x125xi32, #tpu.memory_space<hbm>> -> memref<1x1x40x125xi32, #tpu.memory_space<hbm>>
      %dma_wait3A_84 = tpu.memref_squeeze %dma_wait3A_83 : memref<1x1x40x125xi32, #tpu.memory_space<hbm>> -> memref<40x125xi32, #tpu.memory_space<hbm>>
      tpu.wait_dma2 semaphore(%run_scoped3A_69 : memref<!tpu.dma_semaphore, #tpu.memory_space<semaphore_mem>>) src(%dma_wait3A_84 : memref<40x125xi32, #tpu.memory_space<hbm>>) dst(%arg9 : memref<40x125xi32, #tpu.memory_space<vmem>>)
      tpu.yield
    }) : () -> ()
    %run_scoped3A_46 = arith.constant 1 : i32
    "tpu.region"() ({
      %run_scoped3A_69 = tpu.sem_alloc : memref<!tpu.dma_semaphore, #tpu.memory_space<semaphore_mem>>
      %dma_start3A_70 = arith.constant 0 : i32
      %dma_start3A_71 = arith.constant 0 : i32
      %dma_start3A_72 = tpu.memref_slice %arg4[%add3A, %run_scoped3A_46, %dma_start3A_70, %dma_start3A_71] : memref<32x2x40x125xi32, #tpu.memory_space<hbm>> -> memref<1x1x40x125xi32, #tpu.memory_space<hbm>>
      %dma_start3A_73 = tpu.memref_squeeze %dma_start3A_72 : memref<1x1x40x125xi32, #tpu.memory_space<hbm>> -> memref<40x125xi32, #tpu.memory_space<hbm>>
      %dma_start3A_74 = arith.constant 0 : i32
      %dma_start3A_75 = arith.constant 0 : i32
      %dma_start3A_76 = tpu.memref_slice %arg4[%add3A, %run_scoped3A_46, %dma_start3A_74, %dma_start3A_75] : memref<32x2x40x125xi32, #tpu.memory_space<hbm>> -> memref<1x1x40x125xi32, #tpu.memory_space<hbm>>
      %dma_start3A_77 = tpu.memref_squeeze %dma_start3A_76 : memref<1x1x40x125xi32, #tpu.memory_space<hbm>> -> memref<40x125xi32, #tpu.memory_space<hbm>>
      tpu.enqueue_dma source(%dma_start3A_77 : memref<40x125xi32, #tpu.memory_space<hbm>>) target(%arg10 : memref<40x125xi32, #tpu.memory_space<vmem>>) target_semaphore(%run_scoped3A_69 : memref<!tpu.dma_semaphore, #tpu.memory_space<semaphore_mem>>)
      %dma_wait3A = arith.constant 0 : i32
      %dma_wait3A_78 = arith.constant 0 : i32
      %dma_wait3A_79 = tpu.memref_slice %arg4[%add3A, %run_scoped3A_46, %dma_wait3A, %dma_wait3A_78] : memref<32x2x40x125xi32, #tpu.memory_space<hbm>> -> memref<1x1x40x125xi32, #tpu.memory_space<hbm>>
      %dma_wait3A_80 = tpu.memref_squeeze %dma_wait3A_79 : memref<1x1x40x125xi32, #tpu.memory_space<hbm>> -> memref<40x125xi32, #tpu.memory_space<hbm>>
      %dma_wait3A_81 = arith.constant 0 : i32
      %dma_wait3A_82 = arith.constant 0 : i32
      %dma_wait3A_83 = tpu.memref_slice %arg4[%add3A, %run_scoped3A_46, %dma_wait3A_81, %dma_wait3A_82] : memref<32x2x40x125xi32, #tpu.memory_space<hbm>> -> memref<1x1x40x125xi32, #tpu.memory_space<hbm>>
      %dma_wait3A_84 = tpu.memref_squeeze %dma_wait3A_83 : memref<1x1x40x125xi32, #tpu.memory_space<hbm>> -> memref<40x125xi32, #tpu.memory_space<hbm>>
      tpu.wait_dma2 semaphore(%run_scoped3A_69 : memref<!tpu.dma_semaphore, #tpu.memory_space<semaphore_mem>>) src(%dma_wait3A_84 : memref<40x125xi32, #tpu.memory_space<hbm>>) dst(%arg10 : memref<40x125xi32, #tpu.memory_space<vmem>>)
      tpu.yield
    }) : () -> ()
    %dma_start3A_47 = arith.constant 0 : i32
    %dma_start3A_48 = arith.constant 0 : i32
    %dma_start3A_49 = tpu.memref_slice %arg9[%dma_start3A_47, %dma_start3A_48] : memref<40x125xi32, #tpu.memory_space<vmem>> -> memref<1x125xi32, #tpu.memory_space<vmem>>
    %dma_start3A_50 = tpu.memref_squeeze %dma_start3A_49 : memref<1x125xi32, #tpu.memory_space<vmem>> -> memref<125xi32, #tpu.memory_space<vmem>>
    %dma_start3A_51 = arith.constant 0 : i32
    %dma_start3A_52 = arith.constant 0 : i32
    %dma_start3A_53 = tpu.memref_slice %arg2[%dma_start3A_51, %dma_start3A_52] : memref<10000x128xf32, #tpu.memory_space<hbm>> -> memref<10000x128xf32, #tpu.memory_space<hbm>>
    tpu.enqueue_indirect_dma source(%dma_start3A_53 : memref<10000x128xf32, #tpu.memory_space<hbm>>) target(%arg7 : memref<125x128xf32, #tpu.memory_space<vmem>>) offsets(%dma_start3A_50 : memref<125xi32, #tpu.memory_space<vmem>>) semaphore(%arg15 : memref<!tpu.dma_semaphore, #tpu.memory_space<semaphore_mem>>)
    %dma_start3A_54 = arith.constant 1 : i32
    %dma_start3A_55 = arith.constant 0 : i32
    %dma_start3A_56 = tpu.memref_slice %arg9[%dma_start3A_54, %dma_start3A_55] : memref<40x125xi32, #tpu.memory_space<vmem>> -> memref<1x125xi32, #tpu.memory_space<vmem>>
    %dma_start3A_57 = tpu.memref_squeeze %dma_start3A_56 : memref<1x125xi32, #tpu.memory_space<vmem>> -> memref<125xi32, #tpu.memory_space<vmem>>
    %dma_start3A_58 = arith.constant 0 : i32
    %dma_start3A_59 = arith.constant 0 : i32
    %dma_start3A_60 = tpu.memref_slice %arg2[%dma_start3A_58, %dma_start3A_59] : memref<10000x128xf32, #tpu.memory_space<hbm>> -> memref<10000x128xf32, #tpu.memory_space<hbm>>
    tpu.enqueue_indirect_dma source(%dma_start3A_60 : memref<10000x128xf32, #tpu.memory_space<hbm>>) target(%arg8 : memref<125x128xf32, #tpu.memory_space<vmem>>) offsets(%dma_start3A_57 : memref<125xi32, #tpu.memory_space<vmem>>) semaphore(%arg16 : memref<!tpu.dma_semaphore, #tpu.memory_space<semaphore_mem>>)
    %scan3A_61 = arith.constant 0 : i32
    %scan3A_62 = arith.constant 0 : i32
    %scan3A_63 = arith.constant 20 : i32
    %scan3A_64 = arith.addi %scan3A_62, %scan3A_63 : i32
    %scan3A_65 = arith.constant 1 : i32
    %scan3A_66 = scf.for %scan3A_69 = %scan3A_62 to %scan3A_64 step %scan3A_65 iter_args(%scan3A_70 = %scan3A_61) -> (i32)  : i32 {
      %mul3A_71 = arith.constant 2 : i32
      %mul3A_72 = arith.muli %mul3A_71, %scan3A_69 : i32
      %add3A_73 = arith.constant 0 : i32
      %add3A_74 = arith.addi %mul3A_72, %add3A_73 : i32
      %dma_wait3A = arith.constant 0 : i32
      %dma_wait3A_75 = tpu.memref_slice %arg9[%add3A_74, %dma_wait3A] : memref<40x125xi32, #tpu.memory_space<vmem>> -> memref<1x125xi32, #tpu.memory_space<vmem>>
      %dma_wait3A_76 = tpu.memref_squeeze %dma_wait3A_75 : memref<1x125xi32, #tpu.memory_space<vmem>> -> memref<125xi32, #tpu.memory_space<vmem>>
      %dma_wait3A_77 = arith.constant 0 : i32
      %dma_wait3A_78 = arith.constant 0 : i32
      %dma_wait3A_79 = tpu.memref_slice %arg2[%dma_wait3A_77, %dma_wait3A_78] : memref<10000x128xf32, #tpu.memory_space<hbm>> -> memref<10000x128xf32, #tpu.memory_space<hbm>>
      tpu.wait_indirect_dma semaphore(%arg15 : memref<!tpu.dma_semaphore, #tpu.memory_space<semaphore_mem>>) src(%dma_wait3A_79 : memref<10000x128xf32, #tpu.memory_space<hbm>>) dst(%arg7 : memref<125x128xf32, #tpu.memory_space<vmem>>)
      "tpu.region"() ({
        %run_scoped3A_102 = tpu.sem_alloc : memref<!tpu.dma_semaphore, #tpu.memory_space<semaphore_mem>>
        %dma_start3A_103 = arith.constant 0 : i32
        %dma_start3A_104 = tpu.memref_slice %arg10[%add3A_74, %dma_start3A_103] : memref<40x125xi32, #tpu.memory_space<vmem>> -> memref<1x125xi32, #tpu.memory_space<vmem>>
        %dma_start3A_105 = tpu.memref_squeeze %dma_start3A_104 : memref<1x125xi32, #tpu.memory_space<vmem>> -> memref<125xi32, #tpu.memory_space<vmem>>
        %dma_start3A_106 = arith.constant 0 : i32
        %dma_start3A_107 = arith.constant 0 : i32
        %dma_start3A_108 = tpu.memref_slice %arg13[%dma_start3A_106, %dma_start3A_107] : memref<10240x128xf32, #tpu.memory_space<vmem_shared>> -> memref<10240x128xf32, #tpu.memory_space<vmem_shared>>
        tpu.enqueue_indirect_dma source(%arg7 : memref<125x128xf32, #tpu.memory_space<vmem>>) target(%dma_start3A_108 : memref<10240x128xf32, #tpu.memory_space<vmem_shared>>) offsets(%dma_start3A_105 : memref<125xi32, #tpu.memory_space<vmem>>) semaphore(%run_scoped3A_102 : memref<!tpu.dma_semaphore, #tpu.memory_space<semaphore_mem>>) {add = true}
        %dma_wait3A_109 = arith.constant 0 : i32
        %dma_wait3A_110 = tpu.memref_slice %arg10[%add3A_74, %dma_wait3A_109] : memref<40x125xi32, #tpu.memory_space<vmem>> -> memref<1x125xi32, #tpu.memory_space<vmem>>
        %dma_wait3A_111 = tpu.memref_squeeze %dma_wait3A_110 : memref<1x125xi32, #tpu.memory_space<vmem>> -> memref<125xi32, #tpu.memory_space<vmem>>
        %dma_wait3A_112 = arith.constant 0 : i32
        %dma_wait3A_113 = arith.constant 0 : i32
        %dma_wait3A_114 = tpu.memref_slice %arg13[%dma_wait3A_112, %dma_wait3A_113] : memref<10240x128xf32, #tpu.memory_space<vmem_shared>> -> memref<10240x128xf32, #tpu.memory_space<vmem_shared>>
        tpu.wait_indirect_dma semaphore(%run_scoped3A_102 : memref<!tpu.dma_semaphore, #tpu.memory_space<semaphore_mem>>) src(%arg7 : memref<125x128xf32, #tpu.memory_space<vmem>>) dst(%dma_wait3A_114 : memref<10240x128xf32, #tpu.memory_space<vmem_shared>>)
        tpu.yield
      }) : () -> ()
      %add3A_80 = arith.constant 2 : i32
      %add3A_81 = arith.addi %add3A_74, %add3A_80 : i32
      %lt3A = arith.constant 40 : i32
      %lt3A_82 = arith.cmpi slt, %add3A_81, %lt3A : i32
      %convert_element_type3A = arith.extui %lt3A_82 : i1 to i32
      %cond3A = arith.constant 0 : i32
      %cond3A_83 = arith.cmpi ne, %convert_element_type3A, %cond3A : i32
      scf.if %cond3A_83 {
        %add3A_102 = arith.constant 2 : i32
        %add3A_103 = arith.addi %add3A_74, %add3A_102 : i32
        %dma_start3A_104 = arith.constant 0 : i32
        %dma_start3A_105 = tpu.memref_slice %arg9[%add3A_103, %dma_start3A_104] : memref<40x125xi32, #tpu.memory_space<vmem>> -> memref<1x125xi32, #tpu.memory_space<vmem>>
        %dma_start3A_106 = tpu.memref_squeeze %dma_start3A_105 : memref<1x125xi32, #tpu.memory_space<vmem>> -> memref<125xi32, #tpu.memory_space<vmem>>
        %dma_start3A_107 = arith.constant 0 : i32
        %dma_start3A_108 = arith.constant 0 : i32
        %dma_start3A_109 = tpu.memref_slice %arg2[%dma_start3A_107, %dma_start3A_108] : memref<10000x128xf32, #tpu.memory_space<hbm>> -> memref<10000x128xf32, #tpu.memory_space<hbm>>
        tpu.enqueue_indirect_dma source(%dma_start3A_109 : memref<10000x128xf32, #tpu.memory_space<hbm>>) target(%arg7 : memref<125x128xf32, #tpu.memory_space<vmem>>) offsets(%dma_start3A_106 : memref<125xi32, #tpu.memory_space<vmem>>) semaphore(%arg15 : memref<!tpu.dma_semaphore, #tpu.memory_space<semaphore_mem>>)
      } else {
      }
      %mul3A_84 = arith.constant 2 : i32
      %mul3A_85 = arith.muli %mul3A_84, %scan3A_69 : i32
      %add3A_86 = arith.constant 1 : i32
      %add3A_87 = arith.addi %mul3A_85, %add3A_86 : i32
      %dma_wait3A_88 = arith.constant 0 : i32
      %dma_wait3A_89 = tpu.memref_slice %arg9[%add3A_87, %dma_wait3A_88] : memref<40x125xi32, #tpu.memory_space<vmem>> -> memref<1x125xi32, #tpu.memory_space<vmem>>
      %dma_wait3A_90 = tpu.memref_squeeze %dma_wait3A_89 : memref<1x125xi32, #tpu.memory_space<vmem>> -> memref<125xi32, #tpu.memory_space<vmem>>
      %dma_wait3A_91 = arith.constant 0 : i32
      %dma_wait3A_92 = arith.constant 0 : i32
      %dma_wait3A_93 = tpu.memref_slice %arg2[%dma_wait3A_91, %dma_wait3A_92] : memref<10000x128xf32, #tpu.memory_space<hbm>> -> memref<10000x128xf32, #tpu.memory_space<hbm>>
      tpu.wait_indirect_dma semaphore(%arg16 : memref<!tpu.dma_semaphore, #tpu.memory_space<semaphore_mem>>) src(%dma_wait3A_93 : memref<10000x128xf32, #tpu.memory_space<hbm>>) dst(%arg8 : memref<125x128xf32, #tpu.memory_space<vmem>>)
      "tpu.region"() ({
        %run_scoped3A_102 = tpu.sem_alloc : memref<!tpu.dma_semaphore, #tpu.memory_space<semaphore_mem>>
        %dma_start3A_103 = arith.constant 0 : i32
        %dma_start3A_104 = tpu.memref_slice %arg10[%add3A_87, %dma_start3A_103] : memref<40x125xi32, #tpu.memory_space<vmem>> -> memref<1x125xi32, #tpu.memory_space<vmem>>
        %dma_start3A_105 = tpu.memref_squeeze %dma_start3A_104 : memref<1x125xi32, #tpu.memory_space<vmem>> -> memref<125xi32, #tpu.memory_space<vmem>>
        %dma_start3A_106 = arith.constant 0 : i32
        %dma_start3A_107 = arith.constant 0 : i32
        %dma_start3A_108 = tpu.memref_slice %arg13[%dma_start3A_106, %dma_start3A_107] : memref<10240x128xf32, #tpu.memory_space<vmem_shared>> -> memref<10240x128xf32, #tpu.memory_space<vmem_shared>>
        tpu.enqueue_indirect_dma source(%arg8 : memref<125x128xf32, #tpu.memory_space<vmem>>) target(%dma_start3A_108 : memref<10240x128xf32, #tpu.memory_space<vmem_shared>>) offsets(%dma_start3A_105 : memref<125xi32, #tpu.memory_space<vmem>>) semaphore(%run_scoped3A_102 : memref<!tpu.dma_semaphore, #tpu.memory_space<semaphore_mem>>) {add = true}
        %dma_wait3A_109 = arith.constant 0 : i32
        %dma_wait3A_110 = tpu.memref_slice %arg10[%add3A_87, %dma_wait3A_109] : memref<40x125xi32, #tpu.memory_space<vmem>> -> memref<1x125xi32, #tpu.memory_space<vmem>>
        %dma_wait3A_111 = tpu.memref_squeeze %dma_wait3A_110 : memref<1x125xi32, #tpu.memory_space<vmem>> -> memref<125xi32, #tpu.memory_space<vmem>>
        %dma_wait3A_112 = arith.constant 0 : i32
        %dma_wait3A_113 = arith.constant 0 : i32
        %dma_wait3A_114 = tpu.memref_slice %arg13[%dma_wait3A_112, %dma_wait3A_113] : memref<10240x128xf32, #tpu.memory_space<vmem_shared>> -> memref<10240x128xf32, #tpu.memory_space<vmem_shared>>
        tpu.wait_indirect_dma semaphore(%run_scoped3A_102 : memref<!tpu.dma_semaphore, #tpu.memory_space<semaphore_mem>>) src(%arg8 : memref<125x128xf32, #tpu.memory_space<vmem>>) dst(%dma_wait3A_114 : memref<10240x128xf32, #tpu.memory_space<vmem_shared>>)
        tpu.yield
      }) : () -> ()
      %add3A_94 = arith.constant 2 : i32
      %add3A_95 = arith.addi %add3A_87, %add3A_94 : i32
      %lt3A_96 = arith.constant 40 : i32
      %lt3A_97 = arith.cmpi slt, %add3A_95, %lt3A_96 : i32
      %convert_element_type3A_98 = arith.extui %lt3A_97 : i1 to i32
      %cond3A_99 = arith.constant 0 : i32
      %cond3A_100 = arith.cmpi ne, %convert_element_type3A_98, %cond3A_99 : i32
      scf.if %cond3A_100 {
        %add3A_102 = arith.constant 2 : i32
        %add3A_103 = arith.addi %add3A_87, %add3A_102 : i32
        %dma_start3A_104 = arith.constant 0 : i32
        %dma_start3A_105 = tpu.memref_slice %arg9[%add3A_103, %dma_start3A_104] : memref<40x125xi32, #tpu.memory_space<vmem>> -> memref<1x125xi32, #tpu.memory_space<vmem>>
        %dma_start3A_106 = tpu.memref_squeeze %dma_start3A_105 : memref<1x125xi32, #tpu.memory_space<vmem>> -> memref<125xi32, #tpu.memory_space<vmem>>
        %dma_start3A_107 = arith.constant 0 : i32
        %dma_start3A_108 = arith.constant 0 : i32
        %dma_start3A_109 = tpu.memref_slice %arg2[%dma_start3A_107, %dma_start3A_108] : memref<10000x128xf32, #tpu.memory_space<hbm>> -> memref<10000x128xf32, #tpu.memory_space<hbm>>
        tpu.enqueue_indirect_dma source(%dma_start3A_109 : memref<10000x128xf32, #tpu.memory_space<hbm>>) target(%arg8 : memref<125x128xf32, #tpu.memory_space<vmem>>) offsets(%dma_start3A_106 : memref<125xi32, #tpu.memory_space<vmem>>) semaphore(%arg16 : memref<!tpu.dma_semaphore, #tpu.memory_space<semaphore_mem>>)
      } else {
      }
      %scan3A_101 = arith.constant 0 : i32
      scf.yield %scan3A_101 : i32
    }
    %scan3A_67 = arith.constant 20 : i32
    %barrier3A_68 = arith.constant 0 : index
    tpu.barrier barrier_id(%barrier3A_68)
    "tpu.region"() ({
      %run_scoped3A_69 = tpu.sem_alloc : memref<!tpu.dma_semaphore, #tpu.memory_space<semaphore_mem>>
      %dma_start3A_70 = arith.constant 0 : i32
      %dma_start3A_71 = tpu.memref_slice %arg5[%arg0, %mul3A_5, %dma_start3A_70] : memref<2x10240x128xf32, #tpu.memory_space<hbm>> -> memref<1x640x128xf32, #tpu.memory_space<hbm>>
      %dma_start3A_72 = tpu.memref_squeeze %dma_start3A_71 : memref<1x640x128xf32, #tpu.memory_space<hbm>> -> memref<640x128xf32, #tpu.memory_space<hbm>>
      %dma_start3A_73 = arith.constant 0 : i32
      %dma_start3A_74 = tpu.memref_slice %arg13[%mul3A_5, %dma_start3A_73] : memref<10240x128xf32, #tpu.memory_space<vmem_shared>> -> memref<640x128xf32, #tpu.memory_space<vmem_shared>>
      tpu.enqueue_dma source(%dma_start3A_74 : memref<640x128xf32, #tpu.memory_space<vmem_shared>>) target(%dma_start3A_72 : memref<640x128xf32, #tpu.memory_space<hbm>>) target_semaphore(%run_scoped3A_69 : memref<!tpu.dma_semaphore, #tpu.memory_space<semaphore_mem>>)
      %dma_wait3A = arith.constant 0 : i32
      %dma_wait3A_75 = tpu.memref_slice %arg5[%arg0, %mul3A_5, %dma_wait3A] : memref<2x10240x128xf32, #tpu.memory_space<hbm>> -> memref<1x640x128xf32, #tpu.memory_space<hbm>>
      %dma_wait3A_76 = tpu.memref_squeeze %dma_wait3A_75 : memref<1x640x128xf32, #tpu.memory_space<hbm>> -> memref<640x128xf32, #tpu.memory_space<hbm>>
      %dma_wait3A_77 = arith.constant 0 : i32
      %dma_wait3A_78 = tpu.memref_slice %arg13[%mul3A_5, %dma_wait3A_77] : memref<10240x128xf32, #tpu.memory_space<vmem_shared>> -> memref<640x128xf32, #tpu.memory_space<vmem_shared>>
      tpu.wait_dma2 semaphore(%run_scoped3A_69 : memref<!tpu.dma_semaphore, #tpu.memory_space<semaphore_mem>>) src(%dma_wait3A_78 : memref<640x128xf32, #tpu.memory_space<vmem_shared>>) dst(%dma_wait3A_76 : memref<640x128xf32, #tpu.memory_space<hbm>>)
      tpu.yield
    }) : () -> ()
    return
  }
}

#map = affine_map<(d0, d1) -> (0, 0)>
#map1 = affine_map<(d0, d1) -> (0, 0, 0, 0)>
#map2 = affine_map<(d0, d1) -> (0, 0, 0)>
module attributes {stable_mosaic.version = 14 : i64} {
  func.func @_seg_body(%arg0: i32, %arg1: i32, %arg2: memref<10000x128xf32, #tpu.memory_space<hbm>>, %arg3: memref<32x2x40x125xi32, #tpu.memory_space<hbm>>, %arg4: memref<32x2x40x125xi32, #tpu.memory_space<hbm>>, %arg5: memref<2x10240x128xf32, #tpu.memory_space<hbm>>, %arg6: memref<2x10240xf32, #tpu.memory_space<hbm>>, %arg7: memref<125x128xf32, #tpu.memory_space<vmem>>, %arg8: memref<125x128xf32, #tpu.memory_space<vmem>>, %arg9: memref<40x125xi32, #tpu.memory_space<vmem>>, %arg10: memref<40x125xi32, #tpu.memory_space<vmem>>, %arg11: memref<125xf32, #tpu.memory_space<vmem>>, %arg12: memref<640xf32, #tpu.memory_space<vmem>>, %arg13: memref<10240x128xf32, #tpu.memory_space<vmem_shared>>, %arg14: memref<10240xf32, #tpu.memory_space<vmem_shared>>, %arg15: memref<!tpu.dma_semaphore, #tpu.memory_space<semaphore_mem>>, %arg16: memref<!tpu.dma_semaphore, #tpu.memory_space<semaphore_mem>>) attributes {dimension_semantics = [#tpu.dimension_semantics<core_parallel>, #tpu.dimension_semantics<subcore_parallel>], iteration_bounds = array<i64: 2, 16>, scalar_prefetch = 0 : i64, scratch_operands = 10 : i64, tpu.core_type = #tpu.core_type<sc_vector_subcore>, window_params = [{transform_indices = #map}, {transform_indices = #map1}, {transform_indices = #map1}, {transform_indices = #map2}, {transform_indices = #map}]} {
    %broadcast_in_dim3A = arith.constant 0.000000e+00 : f32
    %broadcast_in_dim3A_0 = vector.broadcast %broadcast_in_dim3A : f32 to vector<16xf32>
    %broadcast_in_dim3A_1 = arith.constant 1.000000e+00 : f32
    %broadcast_in_dim3A_2 = vector.broadcast %broadcast_in_dim3A_1 : f32 to vector<16xf32>
    %mul3A = arith.constant 2 : i32
    %mul3A_3 = arith.muli %arg1, %mul3A : i32
    %add3A = arith.addi %mul3A_3, %arg0 : i32
    %mul3A_4 = arith.constant 640 : i32
    %mul3A_5 = arith.muli %arg1, %mul3A_4 : i32
    %scan3A = arith.constant 0 : i32
    %scan3A_6 = arith.constant 0 : i32
    %scan3A_7 = arith.constant 1000 : i32
    %scan3A_8 = arith.addi %scan3A_6, %scan3A_7 : i32
    %scan3A_9 = arith.constant 1 : i32
    %scan3A_10 = scf.for %scan3A_89 = %scan3A_6 to %scan3A_8 step %scan3A_9 iter_args(%scan3A_90 = %scan3A) -> (i32)  : i32 {
      %jit3A = arith.constant 8 : i32
      %div3A = arith.divsi %scan3A_89, %jit3A : i32
      %sign3A = arith.constant 0 : i32
      %sign3A_91 = arith.cmpi sgt, %scan3A_89, %sign3A : i32
      %sign3A_92 = arith.extui %sign3A_91 : i1 to i32
      %sign3A_93 = arith.constant 0 : i32
      %sign3A_94 = arith.cmpi slt, %scan3A_89, %sign3A_93 : i32
      %sign3A_95 = arith.extui %sign3A_94 : i1 to i32
      %sign3A_96 = arith.subi %sign3A_92, %sign3A_95 : i32
      %sign3A_97 = arith.constant 0 : i32
      %sign3A_98 = arith.cmpi sgt, %jit3A, %sign3A_97 : i32
      %sign3A_99 = arith.extui %sign3A_98 : i1 to i32
      %sign3A_100 = arith.constant 0 : i32
      %sign3A_101 = arith.cmpi slt, %jit3A, %sign3A_100 : i32
      %sign3A_102 = arith.extui %sign3A_101 : i1 to i32
      %sign3A_103 = arith.subi %sign3A_99, %sign3A_102 : i32
      %ne3A = arith.cmpi ne, %sign3A_96, %sign3A_103 : i32
      %rem3A = arith.remsi %scan3A_89, %jit3A : i32
      %ne3A_104 = arith.constant 0 : i32
      %ne3A_105 = arith.cmpi ne, %rem3A, %ne3A_104 : i32
      %and3A = arith.andi %ne3A, %ne3A_105 : i1
      %sub3A = arith.constant 1 : i32
      %sub3A_106 = arith.subi %div3A, %sub3A : i32
      %select_n3A = arith.select %and3A, %sub3A_106, %div3A : i32
      %jit3A_107 = arith.constant 8 : i32
      %eq3A = arith.constant 0 : i32
      %eq3A_108 = arith.cmpi eq, %jit3A_107, %eq3A : i32
      %jit3A_109 = arith.constant 1 : i32
      %select_n3A_110 = arith.select %eq3A_108, %jit3A_109, %jit3A_107 : i32
      %rem3A_111 = arith.remsi %scan3A_89, %select_n3A_110 : i32
      %ne3A_112 = arith.constant 0 : i32
      %ne3A_113 = arith.cmpi ne, %rem3A_111, %ne3A_112 : i32
      %lt3A = arith.constant 0 : i32
      %lt3A_114 = arith.cmpi slt, %rem3A_111, %lt3A : i32
      %lt3A_115 = arith.constant 0 : i32
      %lt3A_116 = arith.cmpi slt, %select_n3A_110, %lt3A_115 : i32
      %ne3A_117 = arith.xori %lt3A_114, %lt3A_116 : i1
      %and3A_118 = arith.andi %ne3A_117, %ne3A_113 : i1
      %add3A_119 = arith.addi %rem3A_111, %select_n3A_110 : i32
      %select_n3A_120 = arith.select %and3A_118, %add3A_119, %rem3A_111 : i32
      %mul3A_121 = arith.constant 16 : i32
      %mul3A_122 = arith.muli %select_n3A_120, %mul3A_121 : i32
      %swap3A = arith.index_cast %select_n3A : i32 to index
      %swap3A_123 = arith.index_cast %mul3A_122 : i32 to index
      %swap3A_124 = tpu.vector_load %arg7[%swap3A, %swap3A_123] {strides = array<i32>} : memref<125x128xf32, #tpu.memory_space<vmem>>, vector<1x16xf32>,
      %swap3A_125 = vector.shape_cast %swap3A_124 : vector<1x16xf32> to vector<16xf32>
      %swap3A_126 = vector.shape_cast %broadcast_in_dim3A_0 : vector<16xf32> to vector<1x16xf32>
      tpu.vector_store %arg7[%swap3A, %swap3A_123], %swap3A_126 {strides = array<i32>} : memref<125x128xf32, #tpu.memory_space<vmem>>, vector<1x16xf32>,
      %scan3A_127 = arith.constant 0 : i32
      scf.yield %scan3A_127 : i32
    }
    %scan3A_11 = arith.constant 1000 : i32
    %add3A_12 = arith.constant 0 : i32
    %add3A_13 = arith.addi %mul3A_5, %add3A_12 : i32
    "tpu.region"() ({
      %run_scoped3A_89 = tpu.sem_alloc : memref<!tpu.dma_semaphore, #tpu.memory_space<semaphore_mem>>
      %dma_start3A_90 = arith.constant 0 : i32
      %dma_start3A_91 = tpu.memref_slice %arg13[%add3A_13, %dma_start3A_90] : memref<10240x128xf32, #tpu.memory_space<vmem_shared>> -> memref<125x128xf32, #tpu.memory_space<vmem_shared>>
      %dma_start3A_92 = arith.constant 0 : i32
      %dma_start3A_93 = tpu.memref_slice %arg13[%add3A_13, %dma_start3A_92] : memref<10240x128xf32, #tpu.memory_space<vmem_shared>> -> memref<125x128xf32, #tpu.memory_space<vmem_shared>>
      tpu.enqueue_dma source(%arg7 : memref<125x128xf32, #tpu.memory_space<vmem>>) target(%dma_start3A_93 : memref<125x128xf32, #tpu.memory_space<vmem_shared>>) target_semaphore(%run_scoped3A_89 : memref<!tpu.dma_semaphore, #tpu.memory_space<semaphore_mem>>)
      %dma_wait3A = arith.constant 0 : i32
      %dma_wait3A_94 = tpu.memref_slice %arg13[%add3A_13, %dma_wait3A] : memref<10240x128xf32, #tpu.memory_space<vmem_shared>> -> memref<125x128xf32, #tpu.memory_space<vmem_shared>>
      %dma_wait3A_95 = arith.constant 0 : i32
      %dma_wait3A_96 = tpu.memref_slice %arg13[%add3A_13, %dma_wait3A_95] : memref<10240x128xf32, #tpu.memory_space<vmem_shared>> -> memref<125x128xf32, #tpu.memory_space<vmem_shared>>
      tpu.wait_dma2 semaphore(%run_scoped3A_89 : memref<!tpu.dma_semaphore, #tpu.memory_space<semaphore_mem>>) src(%arg7 : memref<125x128xf32, #tpu.memory_space<vmem>>) dst(%dma_wait3A_96 : memref<125x128xf32, #tpu.memory_space<vmem_shared>>)
      tpu.yield
    }) : () -> ()
    %add3A_14 = arith.constant 125 : i32
    %add3A_15 = arith.addi %mul3A_5, %add3A_14 : i32
    "tpu.region"() ({
      %run_scoped3A_89 = tpu.sem_alloc : memref<!tpu.dma_semaphore, #tpu.memory_space<semaphore_mem>>
      %dma_start3A_90 = arith.constant 0 : i32
      %dma_start3A_91 = tpu.memref_slice %arg13[%add3A_15, %dma_start3A_90] : memref<10240x128xf32, #tpu.memory_space<vmem_shared>> -> memref<125x128xf32, #tpu.memory_space<vmem_shared>>
      %dma_start3A_92 = arith.constant 0 : i32
      %dma_start3A_93 = tpu.memref_slice %arg13[%add3A_15, %dma_start3A_92] : memref<10240x128xf32, #tpu.memory_space<vmem_shared>> -> memref<125x128xf32, #tpu.memory_space<vmem_shared>>
      tpu.enqueue_dma source(%arg7 : memref<125x128xf32, #tpu.memory_space<vmem>>) target(%dma_start3A_93 : memref<125x128xf32, #tpu.memory_space<vmem_shared>>) target_semaphore(%run_scoped3A_89 : memref<!tpu.dma_semaphore, #tpu.memory_space<semaphore_mem>>)
      %dma_wait3A = arith.constant 0 : i32
      %dma_wait3A_94 = tpu.memref_slice %arg13[%add3A_15, %dma_wait3A] : memref<10240x128xf32, #tpu.memory_space<vmem_shared>> -> memref<125x128xf32, #tpu.memory_space<vmem_shared>>
      %dma_wait3A_95 = arith.constant 0 : i32
      %dma_wait3A_96 = tpu.memref_slice %arg13[%add3A_15, %dma_wait3A_95] : memref<10240x128xf32, #tpu.memory_space<vmem_shared>> -> memref<125x128xf32, #tpu.memory_space<vmem_shared>>
      tpu.wait_dma2 semaphore(%run_scoped3A_89 : memref<!tpu.dma_semaphore, #tpu.memory_space<semaphore_mem>>) src(%arg7 : memref<125x128xf32, #tpu.memory_space<vmem>>) dst(%dma_wait3A_96 : memref<125x128xf32, #tpu.memory_space<vmem_shared>>)
      tpu.yield
    }) : () -> ()
    %add3A_16 = arith.constant 250 : i32
    %add3A_17 = arith.addi %mul3A_5, %add3A_16 : i32
    "tpu.region"() ({
      %run_scoped3A_89 = tpu.sem_alloc : memref<!tpu.dma_semaphore, #tpu.memory_space<semaphore_mem>>
      %dma_start3A_90 = arith.constant 0 : i32
      %dma_start3A_91 = tpu.memref_slice %arg13[%add3A_17, %dma_start3A_90] : memref<10240x128xf32, #tpu.memory_space<vmem_shared>> -> memref<125x128xf32, #tpu.memory_space<vmem_shared>>
      %dma_start3A_92 = arith.constant 0 : i32
      %dma_start3A_93 = tpu.memref_slice %arg13[%add3A_17, %dma_start3A_92] : memref<10240x128xf32, #tpu.memory_space<vmem_shared>> -> memref<125x128xf32, #tpu.memory_space<vmem_shared>>
      tpu.enqueue_dma source(%arg7 : memref<125x128xf32, #tpu.memory_space<vmem>>) target(%dma_start3A_93 : memref<125x128xf32, #tpu.memory_space<vmem_shared>>) target_semaphore(%run_scoped3A_89 : memref<!tpu.dma_semaphore, #tpu.memory_space<semaphore_mem>>)
      %dma_wait3A = arith.constant 0 : i32
      %dma_wait3A_94 = tpu.memref_slice %arg13[%add3A_17, %dma_wait3A] : memref<10240x128xf32, #tpu.memory_space<vmem_shared>> -> memref<125x128xf32, #tpu.memory_space<vmem_shared>>
      %dma_wait3A_95 = arith.constant 0 : i32
      %dma_wait3A_96 = tpu.memref_slice %arg13[%add3A_17, %dma_wait3A_95] : memref<10240x128xf32, #tpu.memory_space<vmem_shared>> -> memref<125x128xf32, #tpu.memory_space<vmem_shared>>
      tpu.wait_dma2 semaphore(%run_scoped3A_89 : memref<!tpu.dma_semaphore, #tpu.memory_space<semaphore_mem>>) src(%arg7 : memref<125x128xf32, #tpu.memory_space<vmem>>) dst(%dma_wait3A_96 : memref<125x128xf32, #tpu.memory_space<vmem_shared>>)
      tpu.yield
    }) : () -> ()
    %add3A_18 = arith.constant 375 : i32
    %add3A_19 = arith.addi %mul3A_5, %add3A_18 : i32
    "tpu.region"() ({
      %run_scoped3A_89 = tpu.sem_alloc : memref<!tpu.dma_semaphore, #tpu.memory_space<semaphore_mem>>
      %dma_start3A_90 = arith.constant 0 : i32
      %dma_start3A_91 = tpu.memref_slice %arg13[%add3A_19, %dma_start3A_90] : memref<10240x128xf32, #tpu.memory_space<vmem_shared>> -> memref<125x128xf32, #tpu.memory_space<vmem_shared>>
      %dma_start3A_92 = arith.constant 0 : i32
      %dma_start3A_93 = tpu.memref_slice %arg13[%add3A_19, %dma_start3A_92] : memref<10240x128xf32, #tpu.memory_space<vmem_shared>> -> memref<125x128xf32, #tpu.memory_space<vmem_shared>>
      tpu.enqueue_dma source(%arg7 : memref<125x128xf32, #tpu.memory_space<vmem>>) target(%dma_start3A_93 : memref<125x128xf32, #tpu.memory_space<vmem_shared>>) target_semaphore(%run_scoped3A_89 : memref<!tpu.dma_semaphore, #tpu.memory_space<semaphore_mem>>)
      %dma_wait3A = arith.constant 0 : i32
      %dma_wait3A_94 = tpu.memref_slice %arg13[%add3A_19, %dma_wait3A] : memref<10240x128xf32, #tpu.memory_space<vmem_shared>> -> memref<125x128xf32, #tpu.memory_space<vmem_shared>>
      %dma_wait3A_95 = arith.constant 0 : i32
      %dma_wait3A_96 = tpu.memref_slice %arg13[%add3A_19, %dma_wait3A_95] : memref<10240x128xf32, #tpu.memory_space<vmem_shared>> -> memref<125x128xf32, #tpu.memory_space<vmem_shared>>
      tpu.wait_dma2 semaphore(%run_scoped3A_89 : memref<!tpu.dma_semaphore, #tpu.memory_space<semaphore_mem>>) src(%arg7 : memref<125x128xf32, #tpu.memory_space<vmem>>) dst(%dma_wait3A_96 : memref<125x128xf32, #tpu.memory_space<vmem_shared>>)
      tpu.yield
    }) : () -> ()
    %add3A_20 = arith.constant 500 : i32
    %add3A_21 = arith.addi %mul3A_5, %add3A_20 : i32
    "tpu.region"() ({
      %run_scoped3A_89 = tpu.sem_alloc : memref<!tpu.dma_semaphore, #tpu.memory_space<semaphore_mem>>
      %dma_start3A_90 = arith.constant 0 : i32
      %dma_start3A_91 = tpu.memref_slice %arg13[%add3A_21, %dma_start3A_90] : memref<10240x128xf32, #tpu.memory_space<vmem_shared>> -> memref<125x128xf32, #tpu.memory_space<vmem_shared>>
      %dma_start3A_92 = arith.constant 0 : i32
      %dma_start3A_93 = tpu.memref_slice %arg13[%add3A_21, %dma_start3A_92] : memref<10240x128xf32, #tpu.memory_space<vmem_shared>> -> memref<125x128xf32, #tpu.memory_space<vmem_shared>>
      tpu.enqueue_dma source(%arg7 : memref<125x128xf32, #tpu.memory_space<vmem>>) target(%dma_start3A_93 : memref<125x128xf32, #tpu.memory_space<vmem_shared>>) target_semaphore(%run_scoped3A_89 : memref<!tpu.dma_semaphore, #tpu.memory_space<semaphore_mem>>)
      %dma_wait3A = arith.constant 0 : i32
      %dma_wait3A_94 = tpu.memref_slice %arg13[%add3A_21, %dma_wait3A] : memref<10240x128xf32, #tpu.memory_space<vmem_shared>> -> memref<125x128xf32, #tpu.memory_space<vmem_shared>>
      %dma_wait3A_95 = arith.constant 0 : i32
      %dma_wait3A_96 = tpu.memref_slice %arg13[%add3A_21, %dma_wait3A_95] : memref<10240x128xf32, #tpu.memory_space<vmem_shared>> -> memref<125x128xf32, #tpu.memory_space<vmem_shared>>
      tpu.wait_dma2 semaphore(%run_scoped3A_89 : memref<!tpu.dma_semaphore, #tpu.memory_space<semaphore_mem>>) src(%arg7 : memref<125x128xf32, #tpu.memory_space<vmem>>) dst(%dma_wait3A_96 : memref<125x128xf32, #tpu.memory_space<vmem_shared>>)
      tpu.yield
    }) : () -> ()
    %add3A_22 = arith.constant 625 : i32
    %add3A_23 = arith.addi %mul3A_5, %add3A_22 : i32
    "tpu.region"() ({
      %run_scoped3A_89 = tpu.sem_alloc : memref<!tpu.dma_semaphore, #tpu.memory_space<semaphore_mem>>
      %dma_start3A_90 = arith.constant 0 : i32
      %dma_start3A_91 = arith.constant 0 : i32
      %dma_start3A_92 = tpu.memref_slice %arg7[%dma_start3A_90, %dma_start3A_91] : memref<125x128xf32, #tpu.memory_space<vmem>> -> memref<15x128xf32, #tpu.memory_space<vmem>>
      %dma_start3A_93 = arith.constant 0 : i32
      %dma_start3A_94 = tpu.memref_slice %arg13[%add3A_23, %dma_start3A_93] : memref<10240x128xf32, #tpu.memory_space<vmem_shared>> -> memref<15x128xf32, #tpu.memory_space<vmem_shared>>
      %dma_start3A_95 = arith.constant 0 : i32
      %dma_start3A_96 = tpu.memref_slice %arg13[%add3A_23, %dma_start3A_95] : memref<10240x128xf32, #tpu.memory_space<vmem_shared>> -> memref<15x128xf32, #tpu.memory_space<vmem_shared>>
      %dma_start3A_97 = arith.constant 0 : i32
      %dma_start3A_98 = arith.constant 0 : i32
      %dma_start3A_99 = tpu.memref_slice %arg7[%dma_start3A_97, %dma_start3A_98] : memref<125x128xf32, #tpu.memory_space<vmem>> -> memref<15x128xf32, #tpu.memory_space<vmem>>
      tpu.enqueue_dma source(%dma_start3A_99 : memref<15x128xf32, #tpu.memory_space<vmem>>) target(%dma_start3A_96 : memref<15x128xf32, #tpu.memory_space<vmem_shared>>) target_semaphore(%run_scoped3A_89 : memref<!tpu.dma_semaphore, #tpu.memory_space<semaphore_mem>>)
      %dma_wait3A = arith.constant 0 : i32
      %dma_wait3A_100 = arith.constant 0 : i32
      %dma_wait3A_101 = tpu.memref_slice %arg7[%dma_wait3A, %dma_wait3A_100] : memref<125x128xf32, #tpu.memory_space<vmem>> -> memref<15x128xf32, #tpu.memory_space<vmem>>
      %dma_wait3A_102 = arith.constant 0 : i32
      %dma_wait3A_103 = tpu.memref_slice %arg13[%add3A_23, %dma_wait3A_102] : memref<10240x128xf32, #tpu.memory_space<vmem_shared>> -> memref<15x128xf32, #tpu.memory_space<vmem_shared>>
      %dma_wait3A_104 = arith.constant 0 : i32
      %dma_wait3A_105 = tpu.memref_slice %arg13[%add3A_23, %dma_wait3A_104] : memref<10240x128xf32, #tpu.memory_space<vmem_shared>> -> memref<15x128xf32, #tpu.memory_space<vmem_shared>>
      %dma_wait3A_106 = arith.constant 0 : i32
      %dma_wait3A_107 = arith.constant 0 : i32
      %dma_wait3A_108 = tpu.memref_slice %arg7[%dma_wait3A_106, %dma_wait3A_107] : memref<125x128xf32, #tpu.memory_space<vmem>> -> memref<15x128xf32, #tpu.memory_space<vmem>>
      tpu.wait_dma2 semaphore(%run_scoped3A_89 : memref<!tpu.dma_semaphore, #tpu.memory_space<semaphore_mem>>) src(%dma_wait3A_108 : memref<15x128xf32, #tpu.memory_space<vmem>>) dst(%dma_wait3A_105 : memref<15x128xf32, #tpu.memory_space<vmem_shared>>)
      tpu.yield
    }) : () -> ()
    %scan3A_24 = arith.constant 0 : i32
    %scan3A_25 = arith.constant 0 : i32
    %scan3A_26 = arith.constant 8 : i32
    %scan3A_27 = arith.addi %scan3A_25, %scan3A_26 : i32
    %scan3A_28 = arith.constant 1 : i32
    %scan3A_29 = scf.for %scan3A_89 = %scan3A_25 to %scan3A_27 step %scan3A_28 iter_args(%scan3A_90 = %scan3A_24) -> (i32)  : i32 {
      %mul3A_91 = arith.constant 16 : i32
      %mul3A_92 = arith.muli %scan3A_89, %mul3A_91 : i32
      %min3A = arith.constant 109 : i32
      %min3A_93 = arith.minsi %mul3A_92, %min3A : i32
      %swap3A = arith.index_cast %min3A_93 : i32 to index
      %swap3A_94 = tpu.vector_load %arg11[%swap3A] {strides = array<i32>} : memref<125xf32, #tpu.memory_space<vmem>>, vector<16xf32>,
      %swap3A_95 = vector.shape_cast %swap3A_94 : vector<16xf32> to vector<16xf32>
      %swap3A_96 = vector.shape_cast %broadcast_in_dim3A_2 : vector<16xf32> to vector<16xf32>
      tpu.vector_store %arg11[%swap3A], %swap3A_96 {strides = array<i32>} : memref<125xf32, #tpu.memory_space<vmem>>, vector<16xf32>,
      %scan3A_97 = arith.constant 0 : i32
      scf.yield %scan3A_97 : i32
    }
    %scan3A_30 = arith.constant 8 : i32
    %scan3A_31 = arith.constant 0 : i32
    %scan3A_32 = arith.constant 0 : i32
    %scan3A_33 = arith.constant 40 : i32
    %scan3A_34 = arith.addi %scan3A_32, %scan3A_33 : i32
    %scan3A_35 = arith.constant 1 : i32
    %scan3A_36 = scf.for %scan3A_89 = %scan3A_32 to %scan3A_34 step %scan3A_35 iter_args(%scan3A_90 = %scan3A_31) -> (i32)  : i32 {
      %mul3A_91 = arith.constant 16 : i32
      %mul3A_92 = arith.muli %scan3A_89, %mul3A_91 : i32
      %swap3A = arith.index_cast %mul3A_92 : i32 to index
      %swap3A_93 = tpu.vector_load %arg12[%swap3A] {strides = array<i32>} : memref<640xf32, #tpu.memory_space<vmem>>, vector<16xf32>,
      %swap3A_94 = vector.shape_cast %swap3A_93 : vector<16xf32> to vector<16xf32>
      %swap3A_95 = vector.shape_cast %broadcast_in_dim3A_0 : vector<16xf32> to vector<16xf32>
      tpu.vector_store %arg12[%swap3A], %swap3A_95 {strides = array<i32>} : memref<640xf32, #tpu.memory_space<vmem>>, vector<16xf32>,
      %scan3A_96 = arith.constant 0 : i32
      scf.yield %scan3A_96 : i32
    }
    %scan3A_37 = arith.constant 40 : i32
    %mul3A_38 = arith.constant 640 : i32
    %mul3A_39 = arith.muli %arg1, %mul3A_38 : i32
    "tpu.region"() ({
      %run_scoped3A_89 = tpu.sem_alloc : memref<!tpu.dma_semaphore, #tpu.memory_space<semaphore_mem>>
      %dma_start3A_90 = tpu.memref_slice %arg14[%mul3A_39] : memref<10240xf32, #tpu.memory_space<vmem_shared>> -> memref<640xf32, #tpu.memory_space<vmem_shared>>
      %dma_start3A_91 = tpu.memref_slice %arg14[%mul3A_39] : memref<10240xf32, #tpu.memory_space<vmem_shared>> -> memref<640xf32, #tpu.memory_space<vmem_shared>>
      tpu.enqueue_dma source(%arg12 : memref<640xf32, #tpu.memory_space<vmem>>) target(%dma_start3A_91 : memref<640xf32, #tpu.memory_space<vmem_shared>>) target_semaphore(%run_scoped3A_89 : memref<!tpu.dma_semaphore, #tpu.memory_space<semaphore_mem>>)
      %dma_wait3A = tpu.memref_slice %arg14[%mul3A_39] : memref<10240xf32, #tpu.memory_space<vmem_shared>> -> memref<640xf32, #tpu.memory_space<vmem_shared>>
      %dma_wait3A_92 = tpu.memref_slice %arg14[%mul3A_39] : memref<10240xf32, #tpu.memory_space<vmem_shared>> -> memref<640xf32, #tpu.memory_space<vmem_shared>>
      tpu.wait_dma2 semaphore(%run_scoped3A_89 : memref<!tpu.dma_semaphore, #tpu.memory_space<semaphore_mem>>) src(%arg12 : memref<640xf32, #tpu.memory_space<vmem>>) dst(%dma_wait3A_92 : memref<640xf32, #tpu.memory_space<vmem_shared>>)
      tpu.yield
    }) : () -> ()
    %barrier3A = arith.constant 0 : index
    tpu.barrier barrier_id(%barrier3A)
    %run_scoped3A = arith.constant 0 : i32
    "tpu.region"() ({
      %run_scoped3A_89 = tpu.sem_alloc : memref<!tpu.dma_semaphore, #tpu.memory_space<semaphore_mem>>
      %dma_start3A_90 = arith.constant 0 : i32
      %dma_start3A_91 = arith.constant 0 : i32
      %dma_start3A_92 = tpu.memref_slice %arg3[%add3A, %run_scoped3A, %dma_start3A_90, %dma_start3A_91] : memref<32x2x40x125xi32, #tpu.memory_space<hbm>> -> memref<1x1x40x125xi32, #tpu.memory_space<hbm>>
      %dma_start3A_93 = tpu.memref_squeeze %dma_start3A_92 : memref<1x1x40x125xi32, #tpu.memory_space<hbm>> -> memref<40x125xi32, #tpu.memory_space<hbm>>
      %dma_start3A_94 = arith.constant 0 : i32
      %dma_start3A_95 = arith.constant 0 : i32
      %dma_start3A_96 = tpu.memref_slice %arg3[%add3A, %run_scoped3A, %dma_start3A_94, %dma_start3A_95] : memref<32x2x40x125xi32, #tpu.memory_space<hbm>> -> memref<1x1x40x125xi32, #tpu.memory_space<hbm>>
      %dma_start3A_97 = tpu.memref_squeeze %dma_start3A_96 : memref<1x1x40x125xi32, #tpu.memory_space<hbm>> -> memref<40x125xi32, #tpu.memory_space<hbm>>
      tpu.enqueue_dma source(%dma_start3A_97 : memref<40x125xi32, #tpu.memory_space<hbm>>) target(%arg9 : memref<40x125xi32, #tpu.memory_space<vmem>>) target_semaphore(%run_scoped3A_89 : memref<!tpu.dma_semaphore, #tpu.memory_space<semaphore_mem>>)
      %dma_wait3A = arith.constant 0 : i32
      %dma_wait3A_98 = arith.constant 0 : i32
      %dma_wait3A_99 = tpu.memref_slice %arg3[%add3A, %run_scoped3A, %dma_wait3A, %dma_wait3A_98] : memref<32x2x40x125xi32, #tpu.memory_space<hbm>> -> memref<1x1x40x125xi32, #tpu.memory_space<hbm>>
      %dma_wait3A_100 = tpu.memref_squeeze %dma_wait3A_99 : memref<1x1x40x125xi32, #tpu.memory_space<hbm>> -> memref<40x125xi32, #tpu.memory_space<hbm>>
      %dma_wait3A_101 = arith.constant 0 : i32
      %dma_wait3A_102 = arith.constant 0 : i32
      %dma_wait3A_103 = tpu.memref_slice %arg3[%add3A, %run_scoped3A, %dma_wait3A_101, %dma_wait3A_102] : memref<32x2x40x125xi32, #tpu.memory_space<hbm>> -> memref<1x1x40x125xi32, #tpu.memory_space<hbm>>
      %dma_wait3A_104 = tpu.memref_squeeze %dma_wait3A_103 : memref<1x1x40x125xi32, #tpu.memory_space<hbm>> -> memref<40x125xi32, #tpu.memory_space<hbm>>
      tpu.wait_dma2 semaphore(%run_scoped3A_89 : memref<!tpu.dma_semaphore, #tpu.memory_space<semaphore_mem>>) src(%dma_wait3A_104 : memref<40x125xi32, #tpu.memory_space<hbm>>) dst(%arg9 : memref<40x125xi32, #tpu.memory_space<vmem>>)
      tpu.yield
    }) : () -> ()
    %run_scoped3A_40 = arith.constant 0 : i32
    "tpu.region"() ({
      %run_scoped3A_89 = tpu.sem_alloc : memref<!tpu.dma_semaphore, #tpu.memory_space<semaphore_mem>>
      %dma_start3A_90 = arith.constant 0 : i32
      %dma_start3A_91 = arith.constant 0 : i32
      %dma_start3A_92 = tpu.memref_slice %arg4[%add3A, %run_scoped3A_40, %dma_start3A_90, %dma_start3A_91] : memref<32x2x40x125xi32, #tpu.memory_space<hbm>> -> memref<1x1x40x125xi32, #tpu.memory_space<hbm>>
      %dma_start3A_93 = tpu.memref_squeeze %dma_start3A_92 : memref<1x1x40x125xi32, #tpu.memory_space<hbm>> -> memref<40x125xi32, #tpu.memory_space<hbm>>
      %dma_start3A_94 = arith.constant 0 : i32
      %dma_start3A_95 = arith.constant 0 : i32
      %dma_start3A_96 = tpu.memref_slice %arg4[%add3A, %run_scoped3A_40, %dma_start3A_94, %dma_start3A_95] : memref<32x2x40x125xi32, #tpu.memory_space<hbm>> -> memref<1x1x40x125xi32, #tpu.memory_space<hbm>>
      %dma_start3A_97 = tpu.memref_squeeze %dma_start3A_96 : memref<1x1x40x125xi32, #tpu.memory_space<hbm>> -> memref<40x125xi32, #tpu.memory_space<hbm>>
      tpu.enqueue_dma source(%dma_start3A_97 : memref<40x125xi32, #tpu.memory_space<hbm>>) target(%arg10 : memref<40x125xi32, #tpu.memory_space<vmem>>) target_semaphore(%run_scoped3A_89 : memref<!tpu.dma_semaphore, #tpu.memory_space<semaphore_mem>>)
      %dma_wait3A = arith.constant 0 : i32
      %dma_wait3A_98 = arith.constant 0 : i32
      %dma_wait3A_99 = tpu.memref_slice %arg4[%add3A, %run_scoped3A_40, %dma_wait3A, %dma_wait3A_98] : memref<32x2x40x125xi32, #tpu.memory_space<hbm>> -> memref<1x1x40x125xi32, #tpu.memory_space<hbm>>
      %dma_wait3A_100 = tpu.memref_squeeze %dma_wait3A_99 : memref<1x1x40x125xi32, #tpu.memory_space<hbm>> -> memref<40x125xi32, #tpu.memory_space<hbm>>
      %dma_wait3A_101 = arith.constant 0 : i32
      %dma_wait3A_102 = arith.constant 0 : i32
      %dma_wait3A_103 = tpu.memref_slice %arg4[%add3A, %run_scoped3A_40, %dma_wait3A_101, %dma_wait3A_102] : memref<32x2x40x125xi32, #tpu.memory_space<hbm>> -> memref<1x1x40x125xi32, #tpu.memory_space<hbm>>
      %dma_wait3A_104 = tpu.memref_squeeze %dma_wait3A_103 : memref<1x1x40x125xi32, #tpu.memory_space<hbm>> -> memref<40x125xi32, #tpu.memory_space<hbm>>
      tpu.wait_dma2 semaphore(%run_scoped3A_89 : memref<!tpu.dma_semaphore, #tpu.memory_space<semaphore_mem>>) src(%dma_wait3A_104 : memref<40x125xi32, #tpu.memory_space<hbm>>) dst(%arg10 : memref<40x125xi32, #tpu.memory_space<vmem>>)
      tpu.yield
    }) : () -> ()
    %dma_start3A = arith.constant 0 : i32
    %dma_start3A_41 = arith.constant 0 : i32
    %dma_start3A_42 = tpu.memref_slice %arg9[%dma_start3A, %dma_start3A_41] : memref<40x125xi32, #tpu.memory_space<vmem>> -> memref<1x125xi32, #tpu.memory_space<vmem>>
    %dma_start3A_43 = tpu.memref_squeeze %dma_start3A_42 : memref<1x125xi32, #tpu.memory_space<vmem>> -> memref<125xi32, #tpu.memory_space<vmem>>
    %dma_start3A_44 = arith.constant 0 : i32
    %dma_start3A_45 = arith.constant 0 : i32
    %dma_start3A_46 = tpu.memref_slice %arg2[%dma_start3A_44, %dma_start3A_45] : memref<10000x128xf32, #tpu.memory_space<hbm>> -> memref<10000x128xf32, #tpu.memory_space<hbm>>
    tpu.enqueue_indirect_dma source(%dma_start3A_46 : memref<10000x128xf32, #tpu.memory_space<hbm>>) target(%arg7 : memref<125x128xf32, #tpu.memory_space<vmem>>) offsets(%dma_start3A_43 : memref<125xi32, #tpu.memory_space<vmem>>) semaphore(%arg15 : memref<!tpu.dma_semaphore, #tpu.memory_space<semaphore_mem>>)
    %dma_start3A_47 = arith.constant 1 : i32
    %dma_start3A_48 = arith.constant 0 : i32
    %dma_start3A_49 = tpu.memref_slice %arg9[%dma_start3A_47, %dma_start3A_48] : memref<40x125xi32, #tpu.memory_space<vmem>> -> memref<1x125xi32, #tpu.memory_space<vmem>>
    %dma_start3A_50 = tpu.memref_squeeze %dma_start3A_49 : memref<1x125xi32, #tpu.memory_space<vmem>> -> memref<125xi32, #tpu.memory_space<vmem>>
    %dma_start3A_51 = arith.constant 0 : i32
    %dma_start3A_52 = arith.constant 0 : i32
    %dma_start3A_53 = tpu.memref_slice %arg2[%dma_start3A_51, %dma_start3A_52] : memref<10000x128xf32, #tpu.memory_space<hbm>> -> memref<10000x128xf32, #tpu.memory_space<hbm>>
    tpu.enqueue_indirect_dma source(%dma_start3A_53 : memref<10000x128xf32, #tpu.memory_space<hbm>>) target(%arg8 : memref<125x128xf32, #tpu.memory_space<vmem>>) offsets(%dma_start3A_50 : memref<125xi32, #tpu.memory_space<vmem>>) semaphore(%arg16 : memref<!tpu.dma_semaphore, #tpu.memory_space<semaphore_mem>>)
    %scan3A_54 = arith.constant 0 : i32
    %scan3A_55 = arith.constant 0 : i32
    %scan3A_56 = arith.constant 20 : i32
    %scan3A_57 = arith.addi %scan3A_55, %scan3A_56 : i32
    %scan3A_58 = arith.constant 1 : i32
    %scan3A_59 = scf.for %scan3A_89 = %scan3A_55 to %scan3A_57 step %scan3A_58 iter_args(%scan3A_90 = %scan3A_54) -> (i32)  : i32 {
      %mul3A_91 = arith.constant 2 : i32
      %mul3A_92 = arith.muli %mul3A_91, %scan3A_89 : i32
      %add3A_93 = arith.constant 0 : i32
      %add3A_94 = arith.addi %mul3A_92, %add3A_93 : i32
      %dma_wait3A = arith.constant 0 : i32
      %dma_wait3A_95 = tpu.memref_slice %arg9[%add3A_94, %dma_wait3A] : memref<40x125xi32, #tpu.memory_space<vmem>> -> memref<1x125xi32, #tpu.memory_space<vmem>>
      %dma_wait3A_96 = tpu.memref_squeeze %dma_wait3A_95 : memref<1x125xi32, #tpu.memory_space<vmem>> -> memref<125xi32, #tpu.memory_space<vmem>>
      %dma_wait3A_97 = arith.constant 0 : i32
      %dma_wait3A_98 = arith.constant 0 : i32
      %dma_wait3A_99 = tpu.memref_slice %arg2[%dma_wait3A_97, %dma_wait3A_98] : memref<10000x128xf32, #tpu.memory_space<hbm>> -> memref<10000x128xf32, #tpu.memory_space<hbm>>
      tpu.wait_indirect_dma semaphore(%arg15 : memref<!tpu.dma_semaphore, #tpu.memory_space<semaphore_mem>>) src(%dma_wait3A_99 : memref<10000x128xf32, #tpu.memory_space<hbm>>) dst(%arg7 : memref<125x128xf32, #tpu.memory_space<vmem>>)
      "tpu.region"() ({
        %run_scoped3A_122 = tpu.sem_alloc : memref<!tpu.dma_semaphore, #tpu.memory_space<semaphore_mem>>
        %dma_start3A_123 = arith.constant 0 : i32
        %dma_start3A_124 = tpu.memref_slice %arg10[%add3A_94, %dma_start3A_123] : memref<40x125xi32, #tpu.memory_space<vmem>> -> memref<1x125xi32, #tpu.memory_space<vmem>>
        %dma_start3A_125 = tpu.memref_squeeze %dma_start3A_124 : memref<1x125xi32, #tpu.memory_space<vmem>> -> memref<125xi32, #tpu.memory_space<vmem>>
        %dma_start3A_126 = arith.constant 0 : i32
        %dma_start3A_127 = tpu.memref_slice %arg14[%dma_start3A_126] : memref<10240xf32, #tpu.memory_space<vmem_shared>> -> memref<10240xf32, #tpu.memory_space<vmem_shared>>
        tpu.enqueue_indirect_dma source(%arg11 : memref<125xf32, #tpu.memory_space<vmem>>) target(%dma_start3A_127 : memref<10240xf32, #tpu.memory_space<vmem_shared>>) offsets(%dma_start3A_125 : memref<125xi32, #tpu.memory_space<vmem>>) semaphore(%run_scoped3A_122 : memref<!tpu.dma_semaphore, #tpu.memory_space<semaphore_mem>>) {add = true}
        %dma_wait3A_128 = arith.constant 0 : i32
        %dma_wait3A_129 = tpu.memref_slice %arg10[%add3A_94, %dma_wait3A_128] : memref<40x125xi32, #tpu.memory_space<vmem>> -> memref<1x125xi32, #tpu.memory_space<vmem>>
        %dma_wait3A_130 = tpu.memref_squeeze %dma_wait3A_129 : memref<1x125xi32, #tpu.memory_space<vmem>> -> memref<125xi32, #tpu.memory_space<vmem>>
        %dma_wait3A_131 = arith.constant 0 : i32
        %dma_wait3A_132 = tpu.memref_slice %arg14[%dma_wait3A_131] : memref<10240xf32, #tpu.memory_space<vmem_shared>> -> memref<10240xf32, #tpu.memory_space<vmem_shared>>
        tpu.wait_indirect_dma semaphore(%run_scoped3A_122 : memref<!tpu.dma_semaphore, #tpu.memory_space<semaphore_mem>>) src(%arg11 : memref<125xf32, #tpu.memory_space<vmem>>) dst(%dma_wait3A_132 : memref<10240xf32, #tpu.memory_space<vmem_shared>>)
        tpu.yield
      }) : () -> ()
      "tpu.region"() ({
        %run_scoped3A_122 = tpu.sem_alloc : memref<!tpu.dma_semaphore, #tpu.memory_space<semaphore_mem>>
        %dma_start3A_123 = arith.constant 0 : i32
        %dma_start3A_124 = tpu.memref_slice %arg10[%add3A_94, %dma_start3A_123] : memref<40x125xi32, #tpu.memory_space<vmem>> -> memref<1x125xi32, #tpu.memory_space<vmem>>
        %dma_start3A_125 = tpu.memref_squeeze %dma_start3A_124 : memref<1x125xi32, #tpu.memory_space<vmem>> -> memref<125xi32, #tpu.memory_space<vmem>>
        %dma_start3A_126 = arith.constant 0 : i32
        %dma_start3A_127 = arith.constant 0 : i32
        %dma_start3A_128 = tpu.memref_slice %arg13[%dma_start3A_126, %dma_start3A_127] : memref<10240x128xf32, #tpu.memory_space<vmem_shared>> -> memref<10240x128xf32, #tpu.memory_space<vmem_shared>>
        tpu.enqueue_indirect_dma source(%arg7 : memref<125x128xf32, #tpu.memory_space<vmem>>) target(%dma_start3A_128 : memref<10240x128xf32, #tpu.memory_space<vmem_shared>>) offsets(%dma_start3A_125 : memref<125xi32, #tpu.memory_space<vmem>>) semaphore(%run_scoped3A_122 : memref<!tpu.dma_semaphore, #tpu.memory_space<semaphore_mem>>) {add = true}
        %dma_wait3A_129 = arith.constant 0 : i32
        %dma_wait3A_130 = tpu.memref_slice %arg10[%add3A_94, %dma_wait3A_129] : memref<40x125xi32, #tpu.memory_space<vmem>> -> memref<1x125xi32, #tpu.memory_space<vmem>>
        %dma_wait3A_131 = tpu.memref_squeeze %dma_wait3A_130 : memref<1x125xi32, #tpu.memory_space<vmem>> -> memref<125xi32, #tpu.memory_space<vmem>>
        %dma_wait3A_132 = arith.constant 0 : i32
        %dma_wait3A_133 = arith.constant 0 : i32
        %dma_wait3A_134 = tpu.memref_slice %arg13[%dma_wait3A_132, %dma_wait3A_133] : memref<10240x128xf32, #tpu.memory_space<vmem_shared>> -> memref<10240x128xf32, #tpu.memory_space<vmem_shared>>
        tpu.wait_indirect_dma semaphore(%run_scoped3A_122 : memref<!tpu.dma_semaphore, #tpu.memory_space<semaphore_mem>>) src(%arg7 : memref<125x128xf32, #tpu.memory_space<vmem>>) dst(%dma_wait3A_134 : memref<10240x128xf32, #tpu.memory_space<vmem_shared>>)
        tpu.yield
      }) : () -> ()
      %add3A_100 = arith.constant 2 : i32
      %add3A_101 = arith.addi %add3A_94, %add3A_100 : i32
      %lt3A = arith.constant 40 : i32
      %lt3A_102 = arith.cmpi slt, %add3A_101, %lt3A : i32
      %convert_element_type3A = arith.extui %lt3A_102 : i1 to i32
      %cond3A = arith.constant 0 : i32
      %cond3A_103 = arith.cmpi ne, %convert_element_type3A, %cond3A : i32
      scf.if %cond3A_103 {
        %add3A_122 = arith.constant 2 : i32
        %add3A_123 = arith.addi %add3A_94, %add3A_122 : i32
        %dma_start3A_124 = arith.constant 0 : i32
        %dma_start3A_125 = tpu.memref_slice %arg9[%add3A_123, %dma_start3A_124] : memref<40x125xi32, #tpu.memory_space<vmem>> -> memref<1x125xi32, #tpu.memory_space<vmem>>
        %dma_start3A_126 = tpu.memref_squeeze %dma_start3A_125 : memref<1x125xi32, #tpu.memory_space<vmem>> -> memref<125xi32, #tpu.memory_space<vmem>>
        %dma_start3A_127 = arith.constant 0 : i32
        %dma_start3A_128 = arith.constant 0 : i32
        %dma_start3A_129 = tpu.memref_slice %arg2[%dma_start3A_127, %dma_start3A_128] : memref<10000x128xf32, #tpu.memory_space<hbm>> -> memref<10000x128xf32, #tpu.memory_space<hbm>>
        tpu.enqueue_indirect_dma source(%dma_start3A_129 : memref<10000x128xf32, #tpu.memory_space<hbm>>) target(%arg7 : memref<125x128xf32, #tpu.memory_space<vmem>>) offsets(%dma_start3A_126 : memref<125xi32, #tpu.memory_space<vmem>>) semaphore(%arg15 : memref<!tpu.dma_semaphore, #tpu.memory_space<semaphore_mem>>)
      } else {
      }
      %mul3A_104 = arith.constant 2 : i32
      %mul3A_105 = arith.muli %mul3A_104, %scan3A_89 : i32
      %add3A_106 = arith.constant 1 : i32
      %add3A_107 = arith.addi %mul3A_105, %add3A_106 : i32
      %dma_wait3A_108 = arith.constant 0 : i32
      %dma_wait3A_109 = tpu.memref_slice %arg9[%add3A_107, %dma_wait3A_108] : memref<40x125xi32, #tpu.memory_space<vmem>> -> memref<1x125xi32, #tpu.memory_space<vmem>>
      %dma_wait3A_110 = tpu.memref_squeeze %dma_wait3A_109 : memref<1x125xi32, #tpu.memory_space<vmem>> -> memref<125xi32, #tpu.memory_space<vmem>>
      %dma_wait3A_111 = arith.constant 0 : i32
      %dma_wait3A_112 = arith.constant 0 : i32
      %dma_wait3A_113 = tpu.memref_slice %arg2[%dma_wait3A_111, %dma_wait3A_112] : memref<10000x128xf32, #tpu.memory_space<hbm>> -> memref<10000x128xf32, #tpu.memory_space<hbm>>
      tpu.wait_indirect_dma semaphore(%arg16 : memref<!tpu.dma_semaphore, #tpu.memory_space<semaphore_mem>>) src(%dma_wait3A_113 : memref<10000x128xf32, #tpu.memory_space<hbm>>) dst(%arg8 : memref<125x128xf32, #tpu.memory_space<vmem>>)
      "tpu.region"() ({
        %run_scoped3A_122 = tpu.sem_alloc : memref<!tpu.dma_semaphore, #tpu.memory_space<semaphore_mem>>
        %dma_start3A_123 = arith.constant 0 : i32
        %dma_start3A_124 = tpu.memref_slice %arg10[%add3A_107, %dma_start3A_123] : memref<40x125xi32, #tpu.memory_space<vmem>> -> memref<1x125xi32, #tpu.memory_space<vmem>>
        %dma_start3A_125 = tpu.memref_squeeze %dma_start3A_124 : memref<1x125xi32, #tpu.memory_space<vmem>> -> memref<125xi32, #tpu.memory_space<vmem>>
        %dma_start3A_126 = arith.constant 0 : i32
        %dma_start3A_127 = tpu.memref_slice %arg14[%dma_start3A_126] : memref<10240xf32, #tpu.memory_space<vmem_shared>> -> memref<10240xf32, #tpu.memory_space<vmem_shared>>
        tpu.enqueue_indirect_dma source(%arg11 : memref<125xf32, #tpu.memory_space<vmem>>) target(%dma_start3A_127 : memref<10240xf32, #tpu.memory_space<vmem_shared>>) offsets(%dma_start3A_125 : memref<125xi32, #tpu.memory_space<vmem>>) semaphore(%run_scoped3A_122 : memref<!tpu.dma_semaphore, #tpu.memory_space<semaphore_mem>>) {add = true}
        %dma_wait3A_128 = arith.constant 0 : i32
        %dma_wait3A_129 = tpu.memref_slice %arg10[%add3A_107, %dma_wait3A_128] : memref<40x125xi32, #tpu.memory_space<vmem>> -> memref<1x125xi32, #tpu.memory_space<vmem>>
        %dma_wait3A_130 = tpu.memref_squeeze %dma_wait3A_129 : memref<1x125xi32, #tpu.memory_space<vmem>> -> memref<125xi32, #tpu.memory_space<vmem>>
        %dma_wait3A_131 = arith.constant 0 : i32
        %dma_wait3A_132 = tpu.memref_slice %arg14[%dma_wait3A_131] : memref<10240xf32, #tpu.memory_space<vmem_shared>> -> memref<10240xf32, #tpu.memory_space<vmem_shared>>
        tpu.wait_indirect_dma semaphore(%run_scoped3A_122 : memref<!tpu.dma_semaphore, #tpu.memory_space<semaphore_mem>>) src(%arg11 : memref<125xf32, #tpu.memory_space<vmem>>) dst(%dma_wait3A_132 : memref<10240xf32, #tpu.memory_space<vmem_shared>>)
        tpu.yield
      }) : () -> ()
      "tpu.region"() ({
        %run_scoped3A_122 = tpu.sem_alloc : memref<!tpu.dma_semaphore, #tpu.memory_space<semaphore_mem>>
        %dma_start3A_123 = arith.constant 0 : i32
        %dma_start3A_124 = tpu.memref_slice %arg10[%add3A_107, %dma_start3A_123] : memref<40x125xi32, #tpu.memory_space<vmem>> -> memref<1x125xi32, #tpu.memory_space<vmem>>
        %dma_start3A_125 = tpu.memref_squeeze %dma_start3A_124 : memref<1x125xi32, #tpu.memory_space<vmem>> -> memref<125xi32, #tpu.memory_space<vmem>>
        %dma_start3A_126 = arith.constant 0 : i32
        %dma_start3A_127 = arith.constant 0 : i32
        %dma_start3A_128 = tpu.memref_slice %arg13[%dma_start3A_126, %dma_start3A_127] : memref<10240x128xf32, #tpu.memory_space<vmem_shared>> -> memref<10240x128xf32, #tpu.memory_space<vmem_shared>>
        tpu.enqueue_indirect_dma source(%arg8 : memref<125x128xf32, #tpu.memory_space<vmem>>) target(%dma_start3A_128 : memref<10240x128xf32, #tpu.memory_space<vmem_shared>>) offsets(%dma_start3A_125 : memref<125xi32, #tpu.memory_space<vmem>>) semaphore(%run_scoped3A_122 : memref<!tpu.dma_semaphore, #tpu.memory_space<semaphore_mem>>) {add = true}
        %dma_wait3A_129 = arith.constant 0 : i32
        %dma_wait3A_130 = tpu.memref_slice %arg10[%add3A_107, %dma_wait3A_129] : memref<40x125xi32, #tpu.memory_space<vmem>> -> memref<1x125xi32, #tpu.memory_space<vmem>>
        %dma_wait3A_131 = tpu.memref_squeeze %dma_wait3A_130 : memref<1x125xi32, #tpu.memory_space<vmem>> -> memref<125xi32, #tpu.memory_space<vmem>>
        %dma_wait3A_132 = arith.constant 0 : i32
        %dma_wait3A_133 = arith.constant 0 : i32
        %dma_wait3A_134 = tpu.memref_slice %arg13[%dma_wait3A_132, %dma_wait3A_133] : memref<10240x128xf32, #tpu.memory_space<vmem_shared>> -> memref<10240x128xf32, #tpu.memory_space<vmem_shared>>
        tpu.wait_indirect_dma semaphore(%run_scoped3A_122 : memref<!tpu.dma_semaphore, #tpu.memory_space<semaphore_mem>>) src(%arg8 : memref<125x128xf32, #tpu.memory_space<vmem>>) dst(%dma_wait3A_134 : memref<10240x128xf32, #tpu.memory_space<vmem_shared>>)
        tpu.yield
      }) : () -> ()
      %add3A_114 = arith.constant 2 : i32
      %add3A_115 = arith.addi %add3A_107, %add3A_114 : i32
      %lt3A_116 = arith.constant 40 : i32
      %lt3A_117 = arith.cmpi slt, %add3A_115, %lt3A_116 : i32
      %convert_element_type3A_118 = arith.extui %lt3A_117 : i1 to i32
      %cond3A_119 = arith.constant 0 : i32
      %cond3A_120 = arith.cmpi ne, %convert_element_type3A_118, %cond3A_119 : i32
      scf.if %cond3A_120 {
        %add3A_122 = arith.constant 2 : i32
        %add3A_123 = arith.addi %add3A_107, %add3A_122 : i32
        %dma_start3A_124 = arith.constant 0 : i32
        %dma_start3A_125 = tpu.memref_slice %arg9[%add3A_123, %dma_start3A_124] : memref<40x125xi32, #tpu.memory_space<vmem>> -> memref<1x125xi32, #tpu.memory_space<vmem>>
        %dma_start3A_126 = tpu.memref_squeeze %dma_start3A_125 : memref<1x125xi32, #tpu.memory_space<vmem>> -> memref<125xi32, #tpu.memory_space<vmem>>
        %dma_start3A_127 = arith.constant 0 : i32
        %dma_start3A_128 = arith.constant 0 : i32
        %dma_start3A_129 = tpu.memref_slice %arg2[%dma_start3A_127, %dma_start3A_128] : memref<10000x128xf32, #tpu.memory_space<hbm>> -> memref<10000x128xf32, #tpu.memory_space<hbm>>
        tpu.enqueue_indirect_dma source(%dma_start3A_129 : memref<10000x128xf32, #tpu.memory_space<hbm>>) target(%arg8 : memref<125x128xf32, #tpu.memory_space<vmem>>) offsets(%dma_start3A_126 : memref<125xi32, #tpu.memory_space<vmem>>) semaphore(%arg16 : memref<!tpu.dma_semaphore, #tpu.memory_space<semaphore_mem>>)
      } else {
      }
      %scan3A_121 = arith.constant 0 : i32
      scf.yield %scan3A_121 : i32
    }
    %scan3A_60 = arith.constant 20 : i32
    %run_scoped3A_61 = arith.constant 1 : i32
    "tpu.region"() ({
      %run_scoped3A_89 = tpu.sem_alloc : memref<!tpu.dma_semaphore, #tpu.memory_space<semaphore_mem>>
      %dma_start3A_90 = arith.constant 0 : i32
      %dma_start3A_91 = arith.constant 0 : i32
      %dma_start3A_92 = tpu.memref_slice %arg3[%add3A, %run_scoped3A_61, %dma_start3A_90, %dma_start3A_91] : memref<32x2x40x125xi32, #tpu.memory_space<hbm>> -> memref<1x1x40x125xi32, #tpu.memory_space<hbm>>
      %dma_start3A_93 = tpu.memref_squeeze %dma_start3A_92 : memref<1x1x40x125xi32, #tpu.memory_space<hbm>> -> memref<40x125xi32, #tpu.memory_space<hbm>>
      %dma_start3A_94 = arith.constant 0 : i32
      %dma_start3A_95 = arith.constant 0 : i32
      %dma_start3A_96 = tpu.memref_slice %arg3[%add3A, %run_scoped3A_61, %dma_start3A_94, %dma_start3A_95] : memref<32x2x40x125xi32, #tpu.memory_space<hbm>> -> memref<1x1x40x125xi32, #tpu.memory_space<hbm>>
      %dma_start3A_97 = tpu.memref_squeeze %dma_start3A_96 : memref<1x1x40x125xi32, #tpu.memory_space<hbm>> -> memref<40x125xi32, #tpu.memory_space<hbm>>
      tpu.enqueue_dma source(%dma_start3A_97 : memref<40x125xi32, #tpu.memory_space<hbm>>) target(%arg9 : memref<40x125xi32, #tpu.memory_space<vmem>>) target_semaphore(%run_scoped3A_89 : memref<!tpu.dma_semaphore, #tpu.memory_space<semaphore_mem>>)
      %dma_wait3A = arith.constant 0 : i32
      %dma_wait3A_98 = arith.constant 0 : i32
      %dma_wait3A_99 = tpu.memref_slice %arg3[%add3A, %run_scoped3A_61, %dma_wait3A, %dma_wait3A_98] : memref<32x2x40x125xi32, #tpu.memory_space<hbm>> -> memref<1x1x40x125xi32, #tpu.memory_space<hbm>>
      %dma_wait3A_100 = tpu.memref_squeeze %dma_wait3A_99 : memref<1x1x40x125xi32, #tpu.memory_space<hbm>> -> memref<40x125xi32, #tpu.memory_space<hbm>>
      %dma_wait3A_101 = arith.constant 0 : i32
      %dma_wait3A_102 = arith.constant 0 : i32
      %dma_wait3A_103 = tpu.memref_slice %arg3[%add3A, %run_scoped3A_61, %dma_wait3A_101, %dma_wait3A_102] : memref<32x2x40x125xi32, #tpu.memory_space<hbm>> -> memref<1x1x40x125xi32, #tpu.memory_space<hbm>>
      %dma_wait3A_104 = tpu.memref_squeeze %dma_wait3A_103 : memref<1x1x40x125xi32, #tpu.memory_space<hbm>> -> memref<40x125xi32, #tpu.memory_space<hbm>>
      tpu.wait_dma2 semaphore(%run_scoped3A_89 : memref<!tpu.dma_semaphore, #tpu.memory_space<semaphore_mem>>) src(%dma_wait3A_104 : memref<40x125xi32, #tpu.memory_space<hbm>>) dst(%arg9 : memref<40x125xi32, #tpu.memory_space<vmem>>)
      tpu.yield
    }) : () -> ()
    %run_scoped3A_62 = arith.constant 1 : i32
    "tpu.region"() ({
      %run_scoped3A_89 = tpu.sem_alloc : memref<!tpu.dma_semaphore, #tpu.memory_space<semaphore_mem>>
      %dma_start3A_90 = arith.constant 0 : i32
      %dma_start3A_91 = arith.constant 0 : i32
      %dma_start3A_92 = tpu.memref_slice %arg4[%add3A, %run_scoped3A_62, %dma_start3A_90, %dma_start3A_91] : memref<32x2x40x125xi32, #tpu.memory_space<hbm>> -> memref<1x1x40x125xi32, #tpu.memory_space<hbm>>
      %dma_start3A_93 = tpu.memref_squeeze %dma_start3A_92 : memref<1x1x40x125xi32, #tpu.memory_space<hbm>> -> memref<40x125xi32, #tpu.memory_space<hbm>>
      %dma_start3A_94 = arith.constant 0 : i32
      %dma_start3A_95 = arith.constant 0 : i32
      %dma_start3A_96 = tpu.memref_slice %arg4[%add3A, %run_scoped3A_62, %dma_start3A_94, %dma_start3A_95] : memref<32x2x40x125xi32, #tpu.memory_space<hbm>> -> memref<1x1x40x125xi32, #tpu.memory_space<hbm>>
      %dma_start3A_97 = tpu.memref_squeeze %dma_start3A_96 : memref<1x1x40x125xi32, #tpu.memory_space<hbm>> -> memref<40x125xi32, #tpu.memory_space<hbm>>
      tpu.enqueue_dma source(%dma_start3A_97 : memref<40x125xi32, #tpu.memory_space<hbm>>) target(%arg10 : memref<40x125xi32, #tpu.memory_space<vmem>>) target_semaphore(%run_scoped3A_89 : memref<!tpu.dma_semaphore, #tpu.memory_space<semaphore_mem>>)
      %dma_wait3A = arith.constant 0 : i32
      %dma_wait3A_98 = arith.constant 0 : i32
      %dma_wait3A_99 = tpu.memref_slice %arg4[%add3A, %run_scoped3A_62, %dma_wait3A, %dma_wait3A_98] : memref<32x2x40x125xi32, #tpu.memory_space<hbm>> -> memref<1x1x40x125xi32, #tpu.memory_space<hbm>>
      %dma_wait3A_100 = tpu.memref_squeeze %dma_wait3A_99 : memref<1x1x40x125xi32, #tpu.memory_space<hbm>> -> memref<40x125xi32, #tpu.memory_space<hbm>>
      %dma_wait3A_101 = arith.constant 0 : i32
      %dma_wait3A_102 = arith.constant 0 : i32
      %dma_wait3A_103 = tpu.memref_slice %arg4[%add3A, %run_scoped3A_62, %dma_wait3A_101, %dma_wait3A_102] : memref<32x2x40x125xi32, #tpu.memory_space<hbm>> -> memref<1x1x40x125xi32, #tpu.memory_space<hbm>>
      %dma_wait3A_104 = tpu.memref_squeeze %dma_wait3A_103 : memref<1x1x40x125xi32, #tpu.memory_space<hbm>> -> memref<40x125xi32, #tpu.memory_space<hbm>>
      tpu.wait_dma2 semaphore(%run_scoped3A_89 : memref<!tpu.dma_semaphore, #tpu.memory_space<semaphore_mem>>) src(%dma_wait3A_104 : memref<40x125xi32, #tpu.memory_space<hbm>>) dst(%arg10 : memref<40x125xi32, #tpu.memory_space<vmem>>)
      tpu.yield
    }) : () -> ()
    %dma_start3A_63 = arith.constant 0 : i32
    %dma_start3A_64 = arith.constant 0 : i32
    %dma_start3A_65 = tpu.memref_slice %arg9[%dma_start3A_63, %dma_start3A_64] : memref<40x125xi32, #tpu.memory_space<vmem>> -> memref<1x125xi32, #tpu.memory_space<vmem>>
    %dma_start3A_66 = tpu.memref_squeeze %dma_start3A_65 : memref<1x125xi32, #tpu.memory_space<vmem>> -> memref<125xi32, #tpu.memory_space<vmem>>
    %dma_start3A_67 = arith.constant 0 : i32
    %dma_start3A_68 = arith.constant 0 : i32
    %dma_start3A_69 = tpu.memref_slice %arg2[%dma_start3A_67, %dma_start3A_68] : memref<10000x128xf32, #tpu.memory_space<hbm>> -> memref<10000x128xf32, #tpu.memory_space<hbm>>
    tpu.enqueue_indirect_dma source(%dma_start3A_69 : memref<10000x128xf32, #tpu.memory_space<hbm>>) target(%arg7 : memref<125x128xf32, #tpu.memory_space<vmem>>) offsets(%dma_start3A_66 : memref<125xi32, #tpu.memory_space<vmem>>) semaphore(%arg15 : memref<!tpu.dma_semaphore, #tpu.memory_space<semaphore_mem>>)
    %dma_start3A_70 = arith.constant 1 : i32
    %dma_start3A_71 = arith.constant 0 : i32
    %dma_start3A_72 = tpu.memref_slice %arg9[%dma_start3A_70, %dma_start3A_71] : memref<40x125xi32, #tpu.memory_space<vmem>> -> memref<1x125xi32, #tpu.memory_space<vmem>>
    %dma_start3A_73 = tpu.memref_squeeze %dma_start3A_72 : memref<1x125xi32, #tpu.memory_space<vmem>> -> memref<125xi32, #tpu.memory_space<vmem>>
    %dma_start3A_74 = arith.constant 0 : i32
    %dma_start3A_75 = arith.constant 0 : i32
    %dma_start3A_76 = tpu.memref_slice %arg2[%dma_start3A_74, %dma_start3A_75] : memref<10000x128xf32, #tpu.memory_space<hbm>> -> memref<10000x128xf32, #tpu.memory_space<hbm>>
    tpu.enqueue_indirect_dma source(%dma_start3A_76 : memref<10000x128xf32, #tpu.memory_space<hbm>>) target(%arg8 : memref<125x128xf32, #tpu.memory_space<vmem>>) offsets(%dma_start3A_73 : memref<125xi32, #tpu.memory_space<vmem>>) semaphore(%arg16 : memref<!tpu.dma_semaphore, #tpu.memory_space<semaphore_mem>>)
    %scan3A_77 = arith.constant 0 : i32
    %scan3A_78 = arith.constant 0 : i32
    %scan3A_79 = arith.constant 20 : i32
    %scan3A_80 = arith.addi %scan3A_78, %scan3A_79 : i32
    %scan3A_81 = arith.constant 1 : i32
    %scan3A_82 = scf.for %scan3A_89 = %scan3A_78 to %scan3A_80 step %scan3A_81 iter_args(%scan3A_90 = %scan3A_77) -> (i32)  : i32 {
      %mul3A_91 = arith.constant 2 : i32
      %mul3A_92 = arith.muli %mul3A_91, %scan3A_89 : i32
      %add3A_93 = arith.constant 0 : i32
      %add3A_94 = arith.addi %mul3A_92, %add3A_93 : i32
      %dma_wait3A = arith.constant 0 : i32
      %dma_wait3A_95 = tpu.memref_slice %arg9[%add3A_94, %dma_wait3A] : memref<40x125xi32, #tpu.memory_space<vmem>> -> memref<1x125xi32, #tpu.memory_space<vmem>>
      %dma_wait3A_96 = tpu.memref_squeeze %dma_wait3A_95 : memref<1x125xi32, #tpu.memory_space<vmem>> -> memref<125xi32, #tpu.memory_space<vmem>>
      %dma_wait3A_97 = arith.constant 0 : i32
      %dma_wait3A_98 = arith.constant 0 : i32
      %dma_wait3A_99 = tpu.memref_slice %arg2[%dma_wait3A_97, %dma_wait3A_98] : memref<10000x128xf32, #tpu.memory_space<hbm>> -> memref<10000x128xf32, #tpu.memory_space<hbm>>
      tpu.wait_indirect_dma semaphore(%arg15 : memref<!tpu.dma_semaphore, #tpu.memory_space<semaphore_mem>>) src(%dma_wait3A_99 : memref<10000x128xf32, #tpu.memory_space<hbm>>) dst(%arg7 : memref<125x128xf32, #tpu.memory_space<vmem>>)
      "tpu.region"() ({
        %run_scoped3A_122 = tpu.sem_alloc : memref<!tpu.dma_semaphore, #tpu.memory_space<semaphore_mem>>
        %dma_start3A_123 = arith.constant 0 : i32
        %dma_start3A_124 = tpu.memref_slice %arg10[%add3A_94, %dma_start3A_123] : memref<40x125xi32, #tpu.memory_space<vmem>> -> memref<1x125xi32, #tpu.memory_space<vmem>>
        %dma_start3A_125 = tpu.memref_squeeze %dma_start3A_124 : memref<1x125xi32, #tpu.memory_space<vmem>> -> memref<125xi32, #tpu.memory_space<vmem>>
        %dma_start3A_126 = arith.constant 0 : i32
        %dma_start3A_127 = tpu.memref_slice %arg14[%dma_start3A_126] : memref<10240xf32, #tpu.memory_space<vmem_shared>> -> memref<10240xf32, #tpu.memory_space<vmem_shared>>
        tpu.enqueue_indirect_dma source(%arg11 : memref<125xf32, #tpu.memory_space<vmem>>) target(%dma_start3A_127 : memref<10240xf32, #tpu.memory_space<vmem_shared>>) offsets(%dma_start3A_125 : memref<125xi32, #tpu.memory_space<vmem>>) semaphore(%run_scoped3A_122 : memref<!tpu.dma_semaphore, #tpu.memory_space<semaphore_mem>>) {add = true}
        %dma_wait3A_128 = arith.constant 0 : i32
        %dma_wait3A_129 = tpu.memref_slice %arg10[%add3A_94, %dma_wait3A_128] : memref<40x125xi32, #tpu.memory_space<vmem>> -> memref<1x125xi32, #tpu.memory_space<vmem>>
        %dma_wait3A_130 = tpu.memref_squeeze %dma_wait3A_129 : memref<1x125xi32, #tpu.memory_space<vmem>> -> memref<125xi32, #tpu.memory_space<vmem>>
        %dma_wait3A_131 = arith.constant 0 : i32
        %dma_wait3A_132 = tpu.memref_slice %arg14[%dma_wait3A_131] : memref<10240xf32, #tpu.memory_space<vmem_shared>> -> memref<10240xf32, #tpu.memory_space<vmem_shared>>
        tpu.wait_indirect_dma semaphore(%run_scoped3A_122 : memref<!tpu.dma_semaphore, #tpu.memory_space<semaphore_mem>>) src(%arg11 : memref<125xf32, #tpu.memory_space<vmem>>) dst(%dma_wait3A_132 : memref<10240xf32, #tpu.memory_space<vmem_shared>>)
        tpu.yield
      }) : () -> ()
      "tpu.region"() ({
        %run_scoped3A_122 = tpu.sem_alloc : memref<!tpu.dma_semaphore, #tpu.memory_space<semaphore_mem>>
        %dma_start3A_123 = arith.constant 0 : i32
        %dma_start3A_124 = tpu.memref_slice %arg10[%add3A_94, %dma_start3A_123] : memref<40x125xi32, #tpu.memory_space<vmem>> -> memref<1x125xi32, #tpu.memory_space<vmem>>
        %dma_start3A_125 = tpu.memref_squeeze %dma_start3A_124 : memref<1x125xi32, #tpu.memory_space<vmem>> -> memref<125xi32, #tpu.memory_space<vmem>>
        %dma_start3A_126 = arith.constant 0 : i32
        %dma_start3A_127 = arith.constant 0 : i32
        %dma_start3A_128 = tpu.memref_slice %arg13[%dma_start3A_126, %dma_start3A_127] : memref<10240x128xf32, #tpu.memory_space<vmem_shared>> -> memref<10240x128xf32, #tpu.memory_space<vmem_shared>>
        tpu.enqueue_indirect_dma source(%arg7 : memref<125x128xf32, #tpu.memory_space<vmem>>) target(%dma_start3A_128 : memref<10240x128xf32, #tpu.memory_space<vmem_shared>>) offsets(%dma_start3A_125 : memref<125xi32, #tpu.memory_space<vmem>>) semaphore(%run_scoped3A_122 : memref<!tpu.dma_semaphore, #tpu.memory_space<semaphore_mem>>) {add = true}
        %dma_wait3A_129 = arith.constant 0 : i32
        %dma_wait3A_130 = tpu.memref_slice %arg10[%add3A_94, %dma_wait3A_129] : memref<40x125xi32, #tpu.memory_space<vmem>> -> memref<1x125xi32, #tpu.memory_space<vmem>>
        %dma_wait3A_131 = tpu.memref_squeeze %dma_wait3A_130 : memref<1x125xi32, #tpu.memory_space<vmem>> -> memref<125xi32, #tpu.memory_space<vmem>>
        %dma_wait3A_132 = arith.constant 0 : i32
        %dma_wait3A_133 = arith.constant 0 : i32
        %dma_wait3A_134 = tpu.memref_slice %arg13[%dma_wait3A_132, %dma_wait3A_133] : memref<10240x128xf32, #tpu.memory_space<vmem_shared>> -> memref<10240x128xf32, #tpu.memory_space<vmem_shared>>
        tpu.wait_indirect_dma semaphore(%run_scoped3A_122 : memref<!tpu.dma_semaphore, #tpu.memory_space<semaphore_mem>>) src(%arg7 : memref<125x128xf32, #tpu.memory_space<vmem>>) dst(%dma_wait3A_134 : memref<10240x128xf32, #tpu.memory_space<vmem_shared>>)
        tpu.yield
      }) : () -> ()
      %add3A_100 = arith.constant 2 : i32
      %add3A_101 = arith.addi %add3A_94, %add3A_100 : i32
      %lt3A = arith.constant 40 : i32
      %lt3A_102 = arith.cmpi slt, %add3A_101, %lt3A : i32
      %convert_element_type3A = arith.extui %lt3A_102 : i1 to i32
      %cond3A = arith.constant 0 : i32
      %cond3A_103 = arith.cmpi ne, %convert_element_type3A, %cond3A : i32
      scf.if %cond3A_103 {
        %add3A_122 = arith.constant 2 : i32
        %add3A_123 = arith.addi %add3A_94, %add3A_122 : i32
        %dma_start3A_124 = arith.constant 0 : i32
        %dma_start3A_125 = tpu.memref_slice %arg9[%add3A_123, %dma_start3A_124] : memref<40x125xi32, #tpu.memory_space<vmem>> -> memref<1x125xi32, #tpu.memory_space<vmem>>
        %dma_start3A_126 = tpu.memref_squeeze %dma_start3A_125 : memref<1x125xi32, #tpu.memory_space<vmem>> -> memref<125xi32, #tpu.memory_space<vmem>>
        %dma_start3A_127 = arith.constant 0 : i32
        %dma_start3A_128 = arith.constant 0 : i32
        %dma_start3A_129 = tpu.memref_slice %arg2[%dma_start3A_127, %dma_start3A_128] : memref<10000x128xf32, #tpu.memory_space<hbm>> -> memref<10000x128xf32, #tpu.memory_space<hbm>>
        tpu.enqueue_indirect_dma source(%dma_start3A_129 : memref<10000x128xf32, #tpu.memory_space<hbm>>) target(%arg7 : memref<125x128xf32, #tpu.memory_space<vmem>>) offsets(%dma_start3A_126 : memref<125xi32, #tpu.memory_space<vmem>>) semaphore(%arg15 : memref<!tpu.dma_semaphore, #tpu.memory_space<semaphore_mem>>)
      } else {
      }
      %mul3A_104 = arith.constant 2 : i32
      %mul3A_105 = arith.muli %mul3A_104, %scan3A_89 : i32
      %add3A_106 = arith.constant 1 : i32
      %add3A_107 = arith.addi %mul3A_105, %add3A_106 : i32
      %dma_wait3A_108 = arith.constant 0 : i32
      %dma_wait3A_109 = tpu.memref_slice %arg9[%add3A_107, %dma_wait3A_108] : memref<40x125xi32, #tpu.memory_space<vmem>> -> memref<1x125xi32, #tpu.memory_space<vmem>>
      %dma_wait3A_110 = tpu.memref_squeeze %dma_wait3A_109 : memref<1x125xi32, #tpu.memory_space<vmem>> -> memref<125xi32, #tpu.memory_space<vmem>>
      %dma_wait3A_111 = arith.constant 0 : i32
      %dma_wait3A_112 = arith.constant 0 : i32
      %dma_wait3A_113 = tpu.memref_slice %arg2[%dma_wait3A_111, %dma_wait3A_112] : memref<10000x128xf32, #tpu.memory_space<hbm>> -> memref<10000x128xf32, #tpu.memory_space<hbm>>
      tpu.wait_indirect_dma semaphore(%arg16 : memref<!tpu.dma_semaphore, #tpu.memory_space<semaphore_mem>>) src(%dma_wait3A_113 : memref<10000x128xf32, #tpu.memory_space<hbm>>) dst(%arg8 : memref<125x128xf32, #tpu.memory_space<vmem>>)
      "tpu.region"() ({
        %run_scoped3A_122 = tpu.sem_alloc : memref<!tpu.dma_semaphore, #tpu.memory_space<semaphore_mem>>
        %dma_start3A_123 = arith.constant 0 : i32
        %dma_start3A_124 = tpu.memref_slice %arg10[%add3A_107, %dma_start3A_123] : memref<40x125xi32, #tpu.memory_space<vmem>> -> memref<1x125xi32, #tpu.memory_space<vmem>>
        %dma_start3A_125 = tpu.memref_squeeze %dma_start3A_124 : memref<1x125xi32, #tpu.memory_space<vmem>> -> memref<125xi32, #tpu.memory_space<vmem>>
        %dma_start3A_126 = arith.constant 0 : i32
        %dma_start3A_127 = tpu.memref_slice %arg14[%dma_start3A_126] : memref<10240xf32, #tpu.memory_space<vmem_shared>> -> memref<10240xf32, #tpu.memory_space<vmem_shared>>
        tpu.enqueue_indirect_dma source(%arg11 : memref<125xf32, #tpu.memory_space<vmem>>) target(%dma_start3A_127 : memref<10240xf32, #tpu.memory_space<vmem_shared>>) offsets(%dma_start3A_125 : memref<125xi32, #tpu.memory_space<vmem>>) semaphore(%run_scoped3A_122 : memref<!tpu.dma_semaphore, #tpu.memory_space<semaphore_mem>>) {add = true}
        %dma_wait3A_128 = arith.constant 0 : i32
        %dma_wait3A_129 = tpu.memref_slice %arg10[%add3A_107, %dma_wait3A_128] : memref<40x125xi32, #tpu.memory_space<vmem>> -> memref<1x125xi32, #tpu.memory_space<vmem>>
        %dma_wait3A_130 = tpu.memref_squeeze %dma_wait3A_129 : memref<1x125xi32, #tpu.memory_space<vmem>> -> memref<125xi32, #tpu.memory_space<vmem>>
        %dma_wait3A_131 = arith.constant 0 : i32
        %dma_wait3A_132 = tpu.memref_slice %arg14[%dma_wait3A_131] : memref<10240xf32, #tpu.memory_space<vmem_shared>> -> memref<10240xf32, #tpu.memory_space<vmem_shared>>
        tpu.wait_indirect_dma semaphore(%run_scoped3A_122 : memref<!tpu.dma_semaphore, #tpu.memory_space<semaphore_mem>>) src(%arg11 : memref<125xf32, #tpu.memory_space<vmem>>) dst(%dma_wait3A_132 : memref<10240xf32, #tpu.memory_space<vmem_shared>>)
        tpu.yield
      }) : () -> ()
      "tpu.region"() ({
        %run_scoped3A_122 = tpu.sem_alloc : memref<!tpu.dma_semaphore, #tpu.memory_space<semaphore_mem>>
        %dma_start3A_123 = arith.constant 0 : i32
        %dma_start3A_124 = tpu.memref_slice %arg10[%add3A_107, %dma_start3A_123] : memref<40x125xi32, #tpu.memory_space<vmem>> -> memref<1x125xi32, #tpu.memory_space<vmem>>
        %dma_start3A_125 = tpu.memref_squeeze %dma_start3A_124 : memref<1x125xi32, #tpu.memory_space<vmem>> -> memref<125xi32, #tpu.memory_space<vmem>>
        %dma_start3A_126 = arith.constant 0 : i32
        %dma_start3A_127 = arith.constant 0 : i32
        %dma_start3A_128 = tpu.memref_slice %arg13[%dma_start3A_126, %dma_start3A_127] : memref<10240x128xf32, #tpu.memory_space<vmem_shared>> -> memref<10240x128xf32, #tpu.memory_space<vmem_shared>>
        tpu.enqueue_indirect_dma source(%arg8 : memref<125x128xf32, #tpu.memory_space<vmem>>) target(%dma_start3A_128 : memref<10240x128xf32, #tpu.memory_space<vmem_shared>>) offsets(%dma_start3A_125 : memref<125xi32, #tpu.memory_space<vmem>>) semaphore(%run_scoped3A_122 : memref<!tpu.dma_semaphore, #tpu.memory_space<semaphore_mem>>) {add = true}
        %dma_wait3A_129 = arith.constant 0 : i32
        %dma_wait3A_130 = tpu.memref_slice %arg10[%add3A_107, %dma_wait3A_129] : memref<40x125xi32, #tpu.memory_space<vmem>> -> memref<1x125xi32, #tpu.memory_space<vmem>>
        %dma_wait3A_131 = tpu.memref_squeeze %dma_wait3A_130 : memref<1x125xi32, #tpu.memory_space<vmem>> -> memref<125xi32, #tpu.memory_space<vmem>>
        %dma_wait3A_132 = arith.constant 0 : i32
        %dma_wait3A_133 = arith.constant 0 : i32
        %dma_wait3A_134 = tpu.memref_slice %arg13[%dma_wait3A_132, %dma_wait3A_133] : memref<10240x128xf32, #tpu.memory_space<vmem_shared>> -> memref<10240x128xf32, #tpu.memory_space<vmem_shared>>
        tpu.wait_indirect_dma semaphore(%run_scoped3A_122 : memref<!tpu.dma_semaphore, #tpu.memory_space<semaphore_mem>>) src(%arg8 : memref<125x128xf32, #tpu.memory_space<vmem>>) dst(%dma_wait3A_134 : memref<10240x128xf32, #tpu.memory_space<vmem_shared>>)
        tpu.yield
      }) : () -> ()
      %add3A_114 = arith.constant 2 : i32
      %add3A_115 = arith.addi %add3A_107, %add3A_114 : i32
      %lt3A_116 = arith.constant 40 : i32
      %lt3A_117 = arith.cmpi slt, %add3A_115, %lt3A_116 : i32
      %convert_element_type3A_118 = arith.extui %lt3A_117 : i1 to i32
      %cond3A_119 = arith.constant 0 : i32
      %cond3A_120 = arith.cmpi ne, %convert_element_type3A_118, %cond3A_119 : i32
      scf.if %cond3A_120 {
        %add3A_122 = arith.constant 2 : i32
        %add3A_123 = arith.addi %add3A_107, %add3A_122 : i32
        %dma_start3A_124 = arith.constant 0 : i32
        %dma_start3A_125 = tpu.memref_slice %arg9[%add3A_123, %dma_start3A_124] : memref<40x125xi32, #tpu.memory_space<vmem>> -> memref<1x125xi32, #tpu.memory_space<vmem>>
        %dma_start3A_126 = tpu.memref_squeeze %dma_start3A_125 : memref<1x125xi32, #tpu.memory_space<vmem>> -> memref<125xi32, #tpu.memory_space<vmem>>
        %dma_start3A_127 = arith.constant 0 : i32
        %dma_start3A_128 = arith.constant 0 : i32
        %dma_start3A_129 = tpu.memref_slice %arg2[%dma_start3A_127, %dma_start3A_128] : memref<10000x128xf32, #tpu.memory_space<hbm>> -> memref<10000x128xf32, #tpu.memory_space<hbm>>
        tpu.enqueue_indirect_dma source(%dma_start3A_129 : memref<10000x128xf32, #tpu.memory_space<hbm>>) target(%arg8 : memref<125x128xf32, #tpu.memory_space<vmem>>) offsets(%dma_start3A_126 : memref<125xi32, #tpu.memory_space<vmem>>) semaphore(%arg16 : memref<!tpu.dma_semaphore, #tpu.memory_space<semaphore_mem>>)
      } else {
      }
      %scan3A_121 = arith.constant 0 : i32
      scf.yield %scan3A_121 : i32
    }
    %scan3A_83 = arith.constant 20 : i32
    %barrier3A_84 = arith.constant 0 : index
    tpu.barrier barrier_id(%barrier3A_84)
    "tpu.region"() ({
      %run_scoped3A_89 = tpu.sem_alloc : memref<!tpu.dma_semaphore, #tpu.memory_space<semaphore_mem>>
      %dma_start3A_90 = arith.constant 0 : i32
      %dma_start3A_91 = tpu.memref_slice %arg5[%arg0, %mul3A_5, %dma_start3A_90] : memref<2x10240x128xf32, #tpu.memory_space<hbm>> -> memref<1x640x128xf32, #tpu.memory_space<hbm>>
      %dma_start3A_92 = tpu.memref_squeeze %dma_start3A_91 : memref<1x640x128xf32, #tpu.memory_space<hbm>> -> memref<640x128xf32, #tpu.memory_space<hbm>>
      %dma_start3A_93 = arith.constant 0 : i32
      %dma_start3A_94 = tpu.memref_slice %arg13[%mul3A_5, %dma_start3A_93] : memref<10240x128xf32, #tpu.memory_space<vmem_shared>> -> memref<640x128xf32, #tpu.memory_space<vmem_shared>>
      tpu.enqueue_dma source(%dma_start3A_94 : memref<640x128xf32, #tpu.memory_space<vmem_shared>>) target(%dma_start3A_92 : memref<640x128xf32, #tpu.memory_space<hbm>>) target_semaphore(%run_scoped3A_89 : memref<!tpu.dma_semaphore, #tpu.memory_space<semaphore_mem>>)
      %dma_wait3A = arith.constant 0 : i32
      %dma_wait3A_95 = tpu.memref_slice %arg5[%arg0, %mul3A_5, %dma_wait3A] : memref<2x10240x128xf32, #tpu.memory_space<hbm>> -> memref<1x640x128xf32, #tpu.memory_space<hbm>>
      %dma_wait3A_96 = tpu.memref_squeeze %dma_wait3A_95 : memref<1x640x128xf32, #tpu.memory_space<hbm>> -> memref<640x128xf32, #tpu.memory_space<hbm>>
      %dma_wait3A_97 = arith.constant 0 : i32
      %dma_wait3A_98 = tpu.memref_slice %arg13[%mul3A_5, %dma_wait3A_97] : memref<10240x128xf32, #tpu.memory_space<vmem_shared>> -> memref<640x128xf32, #tpu.memory_space<vmem_shared>>
      tpu.wait_dma2 semaphore(%run_scoped3A_89 : memref<!tpu.dma_semaphore, #tpu.memory_space<semaphore_mem>>) src(%dma_wait3A_98 : memref<640x128xf32, #tpu.memory_space<vmem_shared>>) dst(%dma_wait3A_96 : memref<640x128xf32, #tpu.memory_space<hbm>>)
      tpu.yield
    }) : () -> ()
    %mul3A_85 = arith.constant 640 : i32
    %mul3A_86 = arith.muli %arg1, %mul3A_85 : i32
    %mul3A_87 = arith.constant 640 : i32
    %mul3A_88 = arith.muli %arg1, %mul3A_87 : i32
    "tpu.region"() ({
      %run_scoped3A_89 = tpu.sem_alloc : memref<!tpu.dma_semaphore, #tpu.memory_space<semaphore_mem>>
      %dma_start3A_90 = tpu.memref_slice %arg6[%arg0, %mul3A_88] : memref<2x10240xf32, #tpu.memory_space<hbm>> -> memref<1x640xf32, #tpu.memory_space<hbm>>
      %dma_start3A_91 = tpu.memref_squeeze %dma_start3A_90 : memref<1x640xf32, #tpu.memory_space<hbm>> -> memref<640xf32, #tpu.memory_space<hbm>>
      %dma_start3A_92 = tpu.memref_slice %arg14[%mul3A_86] : memref<10240xf32, #tpu.memory_space<vmem_shared>> -> memref<640xf32, #tpu.memory_space<vmem_shared>>
      tpu.enqueue_dma source(%dma_start3A_92 : memref<640xf32, #tpu.memory_space<vmem_shared>>) target(%dma_start3A_91 : memref<640xf32, #tpu.memory_space<hbm>>) target_semaphore(%run_scoped3A_89 : memref<!tpu.dma_semaphore, #tpu.memory_space<semaphore_mem>>)
      %dma_wait3A = tpu.memref_slice %arg6[%arg0, %mul3A_88] : memref<2x10240xf32, #tpu.memory_space<hbm>> -> memref<1x640xf32, #tpu.memory_space<hbm>>
      %dma_wait3A_93 = tpu.memref_squeeze %dma_wait3A : memref<1x640xf32, #tpu.memory_space<hbm>> -> memref<640xf32, #tpu.memory_space<hbm>>
      %dma_wait3A_94 = tpu.memref_slice %arg14[%mul3A_86] : memref<10240xf32, #tpu.memory_space<vmem_shared>> -> memref<640xf32, #tpu.memory_space<vmem_shared>>
      tpu.wait_dma2 semaphore(%run_scoped3A_89 : memref<!tpu.dma_semaphore, #tpu.memory_space<semaphore_mem>>) src(%dma_wait3A_94 : memref<640xf32, #tpu.memory_space<vmem_shared>>) dst(%dma_wait3A_93 : memref<640xf32, #tpu.memory_space<hbm>>)
      tpu.yield
    }) : () -> ()
    return
  }
}

module attributes {stable_mosaic.version = 14 : i64} {
  func.func @_lin_body(%arg0: i32, %arg1: memref<512x128xf32, #tpu.memory_space<vmem>>, %arg2: memref<128x128xf32, #tpu.memory_space<vmem>>, %arg3: memref<1x128xf32, #tpu.memory_space<vmem>>, %arg4: memref<512x128xf32, #tpu.memory_space<vmem>>) attributes {dimension_semantics = [#tpu.dimension_semantics<arbitrary>], iteration_bounds = array<i64: 20>, scalar_prefetch = 0 : i64, scratch_operands = 0 : i64, tpu.core_type = #tpu.core_type<tc>, window_params = [{transform_indices = @transform_0, window_bounds = array<i64: 512, 128>}, {pipeline_mode = #tpu.pipeline_mode<synchronous>, transform_indices = @transform_1, window_bounds = array<i64: 128, 128>}, {pipeline_mode = #tpu.pipeline_mode<synchronous>, transform_indices = @transform_2, window_bounds = array<i64: 1, 128>}, {transform_indices = @transform_3, window_bounds = array<i64: 512, 128>}]} {
    %get3A = arith.constant 0 : index
    %get3A_0 = arith.constant 0 : index
    %get3A_1 = vector.load %arg1[%get3A, %get3A_0] : memref<512x128xf32, #tpu.memory_space<vmem>>, vector<512x128xf32>
    %get3A_2 = arith.constant 0 : index
    %get3A_3 = arith.constant 0 : index
    %get3A_4 = vector.load %arg2[%get3A_2, %get3A_3] : memref<128x128xf32, #tpu.memory_space<vmem>>, vector<128x128xf32>
    %dot_general3A = arith.constant dense<0.000000e+00> : vector<512x128xf32>
    %dot_general3A_5 = tpu.matmul %get3A_1, %get3A_4, %dot_general3A {dimension_numbers = #tpu.dot_dimension_numbers<[1], [0], [0], [1], [0, 0, 1, 1], [], []>, transpose_lhs_hint = false} : vector<512x128xf32>, vector<128x128xf32>, vector<512x128xf32> -> vector<512x128xf32>
    %get3A_6 = arith.constant 0 : index
    %get3A_7 = arith.constant 0 : index
    %get3A_8 = vector.load %arg3[%get3A_6, %get3A_7] : memref<1x128xf32, #tpu.memory_space<vmem>>, vector<1x128xf32>
    %add3A = vector.broadcast %get3A_8 : vector<1x128xf32> to vector<512x128xf32>
    %add3A_9 = arith.addf %dot_general3A_5, %add3A : vector<512x128xf32>
    %swap3A = arith.constant 0 : index
    %swap3A_10 = arith.constant 0 : index
    %swap3A_11 = vector.load %arg4[%swap3A, %swap3A_10] : memref<512x128xf32, #tpu.memory_space<vmem>>, vector<512x128xf32>
    tpu.vector_store %arg4[%swap3A, %swap3A_10], %add3A_9 {strides = array<i32>} : memref<512x128xf32, #tpu.memory_space<vmem>>, vector<512x128xf32>,
    return
  }
  func.func @transform_0(%arg0: i32) -> (i32, i32) {
    %c0_i32 = arith.constant 0 : i32
    %c0_i32_0 = arith.constant 0 : i32
    return %arg0, %c0_i32 : i32, i32
  }
  func.func @transform_1(%arg0: i32) -> (i32, i32) {
    %c0_i32 = arith.constant 0 : i32
    %c0_i32_0 = arith.constant 0 : i32
    %c0_i32_1 = arith.constant 0 : i32
    return %c0_i32, %c0_i32_0 : i32, i32
  }
  func.func @transform_2(%arg0: i32) -> (i32, i32) {
    %c0_i32 = arith.constant 0 : i32
    %c0_i32_0 = arith.constant 0 : i32
    %c0_i32_1 = arith.constant 0 : i32
    return %c0_i32, %c0_i32_0 : i32, i32
  }
  func.func @transform_3(%arg0: i32) -> (i32, i32) {
    %c0_i32 = arith.constant 0 : i32
    %c0_i32_0 = arith.constant 0 : i32
    return %arg0, %c0_i32 : i32, i32
  }
}

module attributes {stable_mosaic.version = 14 : i64} {
  func.func @_comb1_body(%arg0: i32, %arg1: memref<2x512x128xf32, #tpu.memory_space<vmem>>, %arg2: memref<2x512xf32, #tpu.memory_space<vmem>>, %arg3: memref<512x128xf32, #tpu.memory_space<vmem>>, %arg4: memref<128x128xf32, #tpu.memory_space<vmem>>, %arg5: memref<128x128xf32, #tpu.memory_space<vmem>>, %arg6: memref<1x128xf32, #tpu.memory_space<vmem>>, %arg7: memref<512x128xf32, #tpu.memory_space<vmem>>, %arg8: memref<512x128xf32, #tpu.memory_space<vmem>>) attributes {dimension_semantics = [#tpu.dimension_semantics<arbitrary>], iteration_bounds = array<i64: 20>, scalar_prefetch = 0 : i64, scratch_operands = 0 : i64, tpu.core_type = #tpu.core_type<tc>, window_params = [{transform_indices = @transform_0, window_bounds = array<i64: 2, 512, 128>}, {transform_indices = @transform_1, window_bounds = array<i64: 2, 512>}, {transform_indices = @transform_2, window_bounds = array<i64: 512, 128>}, {pipeline_mode = #tpu.pipeline_mode<synchronous>, transform_indices = @transform_3, window_bounds = array<i64: 128, 128>}, {pipeline_mode = #tpu.pipeline_mode<synchronous>, transform_indices = @transform_4, window_bounds = array<i64: 128, 128>}, {pipeline_mode = #tpu.pipeline_mode<synchronous>, transform_indices = @transform_5, window_bounds = array<i64: 1, 128>}, {transform_indices = @transform_6, window_bounds = array<i64: 512, 128>}, {transform_indices = @transform_7, window_bounds = array<i64: 512, 128>}]} {
    %get3A = arith.constant 0 : index
    %get3A_0 = arith.constant 0 : index
    %get3A_1 = arith.constant 0 : index
    %get3A_2 = vector.load %arg1[%get3A, %get3A_0, %get3A_1] : memref<2x512x128xf32, #tpu.memory_space<vmem>>, vector<1x512x128xf32>
    %get3A_3 = vector.shape_cast %get3A_2 : vector<1x512x128xf32> to vector<512x128xf32>
    %get3A_4 = arith.constant 1 : index
    %get3A_5 = arith.constant 0 : index
    %get3A_6 = arith.constant 0 : index
    %get3A_7 = vector.load %arg1[%get3A_4, %get3A_5, %get3A_6] : memref<2x512x128xf32, #tpu.memory_space<vmem>>, vector<1x512x128xf32>
    %get3A_8 = vector.shape_cast %get3A_7 : vector<1x512x128xf32> to vector<512x128xf32>
    %add3A = arith.addf %get3A_3, %get3A_8 : vector<512x128xf32>
    %get3A_9 = arith.constant 0 : index
    %get3A_10 = arith.constant 0 : index
    %get3A_11 = vector.load %arg2[%get3A_9, %get3A_10] : memref<2x512xf32, #tpu.memory_space<vmem>>, vector<1x512xf32>
    %get3A_12 = vector.shape_cast %get3A_11 : vector<1x512xf32> to vector<512xf32>
    %get3A_13 = arith.constant 1 : index
    %get3A_14 = arith.constant 0 : index
    %get3A_15 = vector.load %arg2[%get3A_13, %get3A_14] : memref<2x512xf32, #tpu.memory_space<vmem>>, vector<1x512xf32>
    %get3A_16 = vector.shape_cast %get3A_15 : vector<1x512xf32> to vector<512xf32>
    %add3A_17 = arith.addf %get3A_12, %get3A_16 : vector<512xf32>
    %max3A = arith.constant 1.000000e+00 : f32
    %max3A_18 = vector.broadcast %max3A : f32 to vector<512xf32>
    %max3A_19 = arith.maximumf %add3A_17, %max3A_18 : vector<512xf32>
    %div3A = arith.constant 1.000000e+00 : f32
    %div3A_20 = vector.broadcast %div3A : f32 to vector<512xf32>
    %div3A_21 = arith.divf %div3A_20, %max3A_19 : vector<512xf32>
    %broadcast_in_dim3A = vector.shape_cast %div3A_21 : vector<512xf32> to vector<512x1xf32>
    %mul3A = vector.broadcast %broadcast_in_dim3A : vector<512x1xf32> to vector<512x128xf32>
    %mul3A_22 = arith.mulf %add3A, %mul3A : vector<512x128xf32>
    %get3A_23 = arith.constant 0 : index
    %get3A_24 = arith.constant 0 : index
    %get3A_25 = vector.load %arg4[%get3A_23, %get3A_24] : memref<128x128xf32, #tpu.memory_space<vmem>>, vector<128x128xf32>
    %dot_general3A = arith.constant dense<0.000000e+00> : vector<512x128xf32>
    %dot_general3A_26 = tpu.matmul %mul3A_22, %get3A_25, %dot_general3A {dimension_numbers = #tpu.dot_dimension_numbers<[1], [0], [0], [1], [0, 0, 1, 1], [], []>, transpose_lhs_hint = false} : vector<512x128xf32>, vector<128x128xf32>, vector<512x128xf32> -> vector<512x128xf32>
    %get3A_27 = arith.constant 0 : index
    %get3A_28 = arith.constant 0 : index
    %get3A_29 = vector.load %arg3[%get3A_27, %get3A_28] : memref<512x128xf32, #tpu.memory_space<vmem>>, vector<512x128xf32>
    %add3A_30 = arith.addf %dot_general3A_26, %get3A_29 : vector<512x128xf32>
    %max3A_31 = arith.constant 0.000000e+00 : f32
    %max3A_32 = vector.broadcast %max3A_31 : f32 to vector<512x128xf32>
    %max3A_33 = arith.maximumf %add3A_30, %max3A_32 : vector<512x128xf32>
    %swap3A = arith.constant 0 : index
    %swap3A_34 = arith.constant 0 : index
    %swap3A_35 = vector.load %arg7[%swap3A, %swap3A_34] : memref<512x128xf32, #tpu.memory_space<vmem>>, vector<512x128xf32>
    tpu.vector_store %arg7[%swap3A, %swap3A_34], %max3A_33 {strides = array<i32>} : memref<512x128xf32, #tpu.memory_space<vmem>>, vector<512x128xf32>,
    %get3A_36 = arith.constant 0 : index
    %get3A_37 = arith.constant 0 : index
    %get3A_38 = vector.load %arg5[%get3A_36, %get3A_37] : memref<128x128xf32, #tpu.memory_space<vmem>>, vector<128x128xf32>
    %dot_general3A_39 = arith.constant dense<0.000000e+00> : vector<512x128xf32>
    %dot_general3A_40 = tpu.matmul %max3A_33, %get3A_38, %dot_general3A_39 {dimension_numbers = #tpu.dot_dimension_numbers<[1], [0], [0], [1], [0, 0, 1, 1], [], []>, transpose_lhs_hint = false} : vector<512x128xf32>, vector<128x128xf32>, vector<512x128xf32> -> vector<512x128xf32>
    %get3A_41 = arith.constant 0 : index
    %get3A_42 = arith.constant 0 : index
    %get3A_43 = vector.load %arg6[%get3A_41, %get3A_42] : memref<1x128xf32, #tpu.memory_space<vmem>>, vector<1x128xf32>
    %add3A_44 = vector.broadcast %get3A_43 : vector<1x128xf32> to vector<512x128xf32>
    %add3A_45 = arith.addf %dot_general3A_40, %add3A_44 : vector<512x128xf32>
    %swap3A_46 = arith.constant 0 : index
    %swap3A_47 = arith.constant 0 : index
    %swap3A_48 = vector.load %arg8[%swap3A_46, %swap3A_47] : memref<512x128xf32, #tpu.memory_space<vmem>>, vector<512x128xf32>
    tpu.vector_store %arg8[%swap3A_46, %swap3A_47], %add3A_45 {strides = array<i32>} : memref<512x128xf32, #tpu.memory_space<vmem>>, vector<512x128xf32>,
    return
  }
  func.func @transform_0(%arg0: i32) -> (i32, i32, i32) {
    %c0_i32 = arith.constant 0 : i32
    %c0_i32_0 = arith.constant 0 : i32
    %c0_i32_1 = arith.constant 0 : i32
    return %c0_i32, %arg0, %c0_i32_0 : i32, i32, i32
  }
  func.func @transform_1(%arg0: i32) -> (i32, i32) {
    %c0_i32 = arith.constant 0 : i32
    %c0_i32_0 = arith.constant 0 : i32
    return %c0_i32, %arg0 : i32, i32
  }
  func.func @transform_2(%arg0: i32) -> (i32, i32) {
    %c0_i32 = arith.constant 0 : i32
    %c0_i32_0 = arith.constant 0 : i32
    return %arg0, %c0_i32 : i32, i32
  }
  func.func @transform_3(%arg0: i32) -> (i32, i32) {
    %c0_i32 = arith.constant 0 : i32
    %c0_i32_0 = arith.constant 0 : i32
    %c0_i32_1 = arith.constant 0 : i32
    return %c0_i32, %c0_i32_0 : i32, i32
  }
  func.func @transform_4(%arg0: i32) -> (i32, i32) {
    %c0_i32 = arith.constant 0 : i32
    %c0_i32_0 = arith.constant 0 : i32
    %c0_i32_1 = arith.constant 0 : i32
    return %c0_i32, %c0_i32_0 : i32, i32
  }
  func.func @transform_5(%arg0: i32) -> (i32, i32) {
    %c0_i32 = arith.constant 0 : i32
    %c0_i32_0 = arith.constant 0 : i32
    %c0_i32_1 = arith.constant 0 : i32
    return %c0_i32, %c0_i32_0 : i32, i32
  }
  func.func @transform_6(%arg0: i32) -> (i32, i32) {
    %c0_i32 = arith.constant 0 : i32
    %c0_i32_0 = arith.constant 0 : i32
    return %arg0, %c0_i32 : i32, i32
  }
  func.func @transform_7(%arg0: i32) -> (i32, i32) {
    %c0_i32 = arith.constant 0 : i32
    %c0_i32_0 = arith.constant 0 : i32
    return %arg0, %c0_i32 : i32, i32
  }
}

module attributes {stable_mosaic.version = 14 : i64} {
  func.func @_comb2_body(%arg0: i32, %arg1: memref<2x512x128xf32, #tpu.memory_space<vmem>>, %arg2: memref<2x512xf32, #tpu.memory_space<vmem>>, %arg3: memref<512x128xf32, #tpu.memory_space<vmem>>, %arg4: memref<128x128xf32, #tpu.memory_space<vmem>>, %arg5: memref<512x128xf32, #tpu.memory_space<vmem>>) attributes {dimension_semantics = [#tpu.dimension_semantics<arbitrary>], iteration_bounds = array<i64: 20>, scalar_prefetch = 0 : i64, scratch_operands = 0 : i64, tpu.core_type = #tpu.core_type<tc>, window_params = [{transform_indices = @transform_0, window_bounds = array<i64: 2, 512, 128>}, {transform_indices = @transform_1, window_bounds = array<i64: 2, 512>}, {transform_indices = @transform_2, window_bounds = array<i64: 512, 128>}, {pipeline_mode = #tpu.pipeline_mode<synchronous>, transform_indices = @transform_3, window_bounds = array<i64: 128, 128>}, {transform_indices = @transform_4, window_bounds = array<i64: 512, 128>}]} {
    %get3A = arith.constant 0 : index
    %get3A_0 = arith.constant 0 : index
    %get3A_1 = arith.constant 0 : index
    %get3A_2 = vector.load %arg1[%get3A, %get3A_0, %get3A_1] : memref<2x512x128xf32, #tpu.memory_space<vmem>>, vector<1x512x128xf32>
    %get3A_3 = vector.shape_cast %get3A_2 : vector<1x512x128xf32> to vector<512x128xf32>
    %get3A_4 = arith.constant 1 : index
    %get3A_5 = arith.constant 0 : index
    %get3A_6 = arith.constant 0 : index
    %get3A_7 = vector.load %arg1[%get3A_4, %get3A_5, %get3A_6] : memref<2x512x128xf32, #tpu.memory_space<vmem>>, vector<1x512x128xf32>
    %get3A_8 = vector.shape_cast %get3A_7 : vector<1x512x128xf32> to vector<512x128xf32>
    %add3A = arith.addf %get3A_3, %get3A_8 : vector<512x128xf32>
    %get3A_9 = arith.constant 0 : index
    %get3A_10 = arith.constant 0 : index
    %get3A_11 = vector.load %arg2[%get3A_9, %get3A_10] : memref<2x512xf32, #tpu.memory_space<vmem>>, vector<1x512xf32>
    %get3A_12 = vector.shape_cast %get3A_11 : vector<1x512xf32> to vector<512xf32>
    %get3A_13 = arith.constant 1 : index
    %get3A_14 = arith.constant 0 : index
    %get3A_15 = vector.load %arg2[%get3A_13, %get3A_14] : memref<2x512xf32, #tpu.memory_space<vmem>>, vector<1x512xf32>
    %get3A_16 = vector.shape_cast %get3A_15 : vector<1x512xf32> to vector<512xf32>
    %add3A_17 = arith.addf %get3A_12, %get3A_16 : vector<512xf32>
    %max3A = arith.constant 1.000000e+00 : f32
    %max3A_18 = vector.broadcast %max3A : f32 to vector<512xf32>
    %max3A_19 = arith.maximumf %add3A_17, %max3A_18 : vector<512xf32>
    %div3A = arith.constant 1.000000e+00 : f32
    %div3A_20 = vector.broadcast %div3A : f32 to vector<512xf32>
    %div3A_21 = arith.divf %div3A_20, %max3A_19 : vector<512xf32>
    %broadcast_in_dim3A = vector.shape_cast %div3A_21 : vector<512xf32> to vector<512x1xf32>
    %mul3A = vector.broadcast %broadcast_in_dim3A : vector<512x1xf32> to vector<512x128xf32>
    %mul3A_22 = arith.mulf %add3A, %mul3A : vector<512x128xf32>
    %get3A_23 = arith.constant 0 : index
    %get3A_24 = arith.constant 0 : index
    %get3A_25 = vector.load %arg4[%get3A_23, %get3A_24] : memref<128x128xf32, #tpu.memory_space<vmem>>, vector<128x128xf32>
    %dot_general3A = arith.constant dense<0.000000e+00> : vector<512x128xf32>
    %dot_general3A_26 = tpu.matmul %mul3A_22, %get3A_25, %dot_general3A {dimension_numbers = #tpu.dot_dimension_numbers<[1], [0], [0], [1], [0, 0, 1, 1], [], []>, transpose_lhs_hint = false} : vector<512x128xf32>, vector<128x128xf32>, vector<512x128xf32> -> vector<512x128xf32>
    %get3A_27 = arith.constant 0 : index
    %get3A_28 = arith.constant 0 : index
    %get3A_29 = vector.load %arg3[%get3A_27, %get3A_28] : memref<512x128xf32, #tpu.memory_space<vmem>>, vector<512x128xf32>
    %add3A_30 = arith.addf %dot_general3A_26, %get3A_29 : vector<512x128xf32>
    %swap3A = arith.constant 0 : index
    %swap3A_31 = arith.constant 0 : index
    %swap3A_32 = vector.load %arg5[%swap3A, %swap3A_31] : memref<512x128xf32, #tpu.memory_space<vmem>>, vector<512x128xf32>
    tpu.vector_store %arg5[%swap3A, %swap3A_31], %add3A_30 {strides = array<i32>} : memref<512x128xf32, #tpu.memory_space<vmem>>, vector<512x128xf32>,
    return
  }
  func.func @transform_0(%arg0: i32) -> (i32, i32, i32) {
    %c0_i32 = arith.constant 0 : i32
    %c0_i32_0 = arith.constant 0 : i32
    %c0_i32_1 = arith.constant 0 : i32
    return %c0_i32, %arg0, %c0_i32_0 : i32, i32, i32
  }
  func.func @transform_1(%arg0: i32) -> (i32, i32) {
    %c0_i32 = arith.constant 0 : i32
    %c0_i32_0 = arith.constant 0 : i32
    return %c0_i32, %arg0 : i32, i32
  }
  func.func @transform_2(%arg0: i32) -> (i32, i32) {
    %c0_i32 = arith.constant 0 : i32
    %c0_i32_0 = arith.constant 0 : i32
    return %arg0, %c0_i32 : i32, i32
  }
  func.func @transform_3(%arg0: i32) -> (i32, i32) {
    %c0_i32 = arith.constant 0 : i32
    %c0_i32_0 = arith.constant 0 : i32
    %c0_i32_1 = arith.constant 0 : i32
    return %c0_i32, %c0_i32_0 : i32, i32
  }
  func.func @transform_4(%arg0: i32) -> (i32, i32) {
    %c0_i32 = arith.constant 0 : i32
    %c0_i32_0 = arith.constant 0 : i32
    return %arg0, %c0_i32 : i32, i32
  }
}

</mosaic_0001>

<sc_bundles>
// kernel: kernel.10.cloned.1.call-start
scs
__scs_entry_jumppad:
0x0: {  	(pc) =	sbr.rel $0x88, $3  }
0x1: {  	(tag) =	ssettag $0x0;
	lr =	simm.s32 $0x1  }
0x2: {  	[smem:$0x3F99] =	sst lr;
	_ =	strace $0xD0000000  }
0x3: {  	_ = 	snop  }
0x4: {  	_ = 	snop  }
0x5: {  	_ = 	snop  }
0x6: {  	_ = 	snop  }
0x7: {  	_ = 	snop  }
__scs_overlays_trampoline_lowered:
0x8: {  	[smem:$0x3FA8] =	sst s0  }
0x9: {  	[smem:$0x3FA9] =	sst s1  }
0xa: {  	[smem:$0x3FAA] =	sst s2  }
0xb: {  	[smem:$0x3FAB] =	sst s3  }
0xc: {  	[smem:$0x3FAC] =	sst s4  }
0xd: {  	[smem:$0x3FAD] =	sst s5  }
0xe: {  	[smem:$0x3FAE] =	sst s6  }
0xf: {  	[smem:$0x3FAF] =	sst s7  }
0x10: {  	[smem:$0x3FB0] =	sst s8  }
0x11: {  	[smem:$0x3FB1] =	sst s9;
	s0 =	simm.s32 @!p0 $0x0  }
0x12: {  	s1 =	sld [smem:$0x3F97];
	s0 =	simm.s32 @p0 $0x1  }
0x13: {  	[smem:$0x3FB2] =	sst s0;
	s0 =	simm.s32 @!p1 $0x0  }
0x14: {  	s2 =	sld [smem:$0x3F96];
	s0 =	simm.s32 @p1 $0x1  }
0x15: {  	[smem:$0x3FB3] =	sst s0;
	s0 =	simm.s32 @!p2 $0x0  }
0x16: {  	s3 =	sld [smem:$0x3FDB];
	s0 =	simm.s32 @p2 $0x1  }
0x17: {  	s4 =	simm.s32 $0x1BF5;
	[smem:$0x3FB5] =	sst s0  }
0x18: {  	s0 =	sld [smem:$0x3F98];
	_ =	swait.ge [sflag:s4], $0x0  }
0x19: {  	s7 =	sld [smem:$0x3F99]  }
0x1a: {  	s8 =	sadd.s32 $0xFFFFE003, lr  }
0x1b: {  	s9 =	sadd.s32 $0xFFFFFEF7, lr;
	s5 =	simm.s32 $0xFFFFFFFF;
	p2 =	slt.u32 s8, $0xFFFFF086  }
0x1c: {  	p1 =	slt.u32 s9, $0xF7A;
	s5 =	simm.s32 @!p2 $0x0  }
0x1d: {  	s5 =	simm.s32 @p1 $0x1;
	p0 =	seq.s32 s7, s2  }
0x1e: {  	s7 =	smul.u32 @!p0 $0xF7A, s2;
	p2 =	seq.s32 @!p0 s5, $0x0  }
0x1f: {  	s9 =	smul.u32 $0xF7A, s1;
	s8 =	simm.s32 @!p0 $0x1BF5;
	p2 =	por !p2, p0  }
0x20: {  	[sflag:s8] =	ssyncset.s32 @!p0 $0xFFFFF086;
	s6 =	sadd.s32 @!p0 s3, s7;
	s7 =	simm.s32 @!p0 $0x108  }
0x21: {  	s3 =	sadd.s32 s3, s9;
	s6 =	sadd.s32 @!p0 $0x88, s6;
	s7 =	simm.s32 @p2 $0x1082  }
0x22: {  	[simem:s7], [sflag:s8] =	dma.local @!p0 [hbm:s6], $0xF7A  }
0x23: {  	s9 =	sor.u32 $0xD0000000, s2;
	s6 =	simm.s32 $0x108;
	_ =	swait.ge @!p0 [sflag:s8], $0x0  }
0x24: {  	s3 =	sadd.s32 $0x88, s3;
	s6 =	simm.s32 @!p1 $0x1082;
	[sflag:s4] =	ssyncset.s32 $0xFFFFF086  }
0x25: {  	[simem:s6], [sflag:s4] =	dma.local [hbm:s3], $0xF7A  }
0x26: {  	[smem:$0x3F99] =	sst s1;
	(tag) =	ssettag s2;
	_ =	strace s9  }
0x27: {  	s1 =	sld [smem:$0x3FA9]  }
0x28: {  	s2 =	sld [smem:$0x3FAA]  }
0x29: {  	s4 =	sld [smem:$0x3FAC]  }
0x2a: {  	p0 =	seq.s32 s5, $0x0;
	s5 =	sld [smem:$0x3FAD]  }
0x2b: {  	s6 =	sld [smem:$0x3FAE]  }
0x2c: {  	s7 =	sld [smem:$0x3FAF]  }
0x2d: {  	s3 =	simm.s32 $0x108;
	s8 =	sld [smem:$0x3FB0]  }
0x2e: {  	s3 =	simm.s32 @!p0 $0x1082;
	s9 =	sld [smem:$0x3FB1]  }
0x2f: {  	lr =	sadd.s32 s0, s3;
	s0 =	sld [smem:$0x3FA8]  }
0x30: {  	s3 =	sld [smem:$0x3FAB]  }
0x31: {  	[smem:$0x3FB4] =	sst s10  }
0x32: {  	s10 =	sld [smem:$0x3FB2];
	_ =	sdelay $0x3  }
0x33: {  	p0 =	seq.s32 s10, $0x1;
	s10 =	sld [smem:$0x3FB4];
	_ =	sdelay $0x3  }
0x34: {  	[smem:$0x3FB4] =	sst s10  }
0x35: {  	s10 =	sld [smem:$0x3FB3];
	_ =	sdelay $0x3  }
0x36: {  	p1 =	seq.s32 s10, $0x1;
	s10 =	sld [smem:$0x3FB4];
	_ =	sdelay $0x3  }
0x37: {  	[smem:$0x3FB4] =	sst s10  }
0x38: {  	s10 =	sld [smem:$0x3FB5]  }
0x39: {  	_ = 	snop;
	(pc) =	sbr.ind lr, $3  }
0x3a: {  	_ = 	snop  }
0x3b: {  	_ = 	snop  }
0x3c: {  	p2 =	seq.s32 s10, $0x1;
	s10 =	sld [smem:$0x3FB4]  }
0x3d: {  	_ =	shalt  }
0x3e: {  	_ =	shalt  }
0x3f: {  	_ =	shalt  }
0x40: {  	_ =	shalt  }
0x41: {  	_ =	shalt  }
0x42: {  	_ =	shalt  }
0x43: {  	_ =	shalt  }
0x44: {  	_ =	shalt  }
0x45: {  	_ =	shalt  }
0x46: {  	_ =	shalt  }
0x47: {  	_ =	shalt  }
0x48: {  	_ =	shalt  }
0x49: {  	_ =	shalt  }
0x4a: {  	_ =	shalt  }
0x4b: {  	_ =	shalt  }
0x4c: {  	_ =	shalt  }
0x4d: {  	_ =	shalt  }
0x4e: {  	_ =	shalt  }
0x4f: {  	_ =	shalt  }
0x50: {  	_ =	shalt  }
0x51: {  	_ =	shalt  }
0x52: {  	_ =	shalt  }
0x53: {  	_ =	shalt  }
0x54: {  	_ =	shalt  }
0x55: {  	_ =	shalt  }
0x56: {  	_ =	shalt  }
0x57: {  	_ =	shalt  }
0x58: {  	_ =	shalt  }
0x59: {  	_ =	shalt  }
0x5a: {  	_ =	shalt  }
0x5b: {  	_ =	shalt  }
0x5c: {  	_ =	shalt  }
0x5d: {  	_ =	shalt  }
0x5e: {  	_ =	shalt  }
0x5f: {  	_ =	shalt  }
0x60: {  	_ =	shalt  }
0x61: {  	_ =	shalt  }
0x62: {  	_ =	shalt  }
0x63: {  	_ =	shalt  }
0x64: {  	_ =	shalt  }
0x65: {  	_ =	shalt  }
0x66: {  	_ =	shalt  }
0x67: {  	_ =	shalt  }
0x68: {  	_ =	shalt  }
0x69: {  	_ =	shalt  }
0x6a: {  	_ =	shalt  }
0x6b: {  	_ =	shalt  }
0x6c: {  	_ =	shalt  }
0x6d: {  	_ =	shalt  }
0x6e: {  	_ =	shalt  }
0x6f: {  	_ =	shalt  }
0x70: {  	_ =	shalt  }
0x71: {  	_ =	shalt  }
0x72: {  	_ =	shalt  }
0x73: {  	_ =	shalt  }
0x74: {  	_ =	shalt  }
0x75: {  	_ =	shalt  }
0x76: {  	_ =	shalt  }
0x77: {  	_ =	shalt  }
0x78: {  	_ =	shalt  }
0x79: {  	_ =	shalt  }
0x7a: {  	_ =	shalt  }
0x7b: {  	_ =	shalt  }
0x7c: {  	_ =	shalt  }
0x7d: {  	_ =	shalt  }
0x7e: {  	_ =	shalt  }
0x7f: {  	_ =	shalt  }
0x80: {  	_ =	shalt  }
0x81: {  	_ =	shalt  }
0x82: {  	_ =	shalt  }
0x83: {  	_ =	shalt  }
0x84: {  	_ =	shalt  }
0x85: {  	_ =	shalt  }
0x86: {  	_ =	shalt  }
0x87: {  	_ =	shalt  }
.Lfunc_end0:
.L_simem_size_0:
called_computation.1_lowered:
.L_overlay_start_0:
0x88: {  	s2 =	sld [smem:$0x3FD9]  }
0x89: {  	s3 =	sld [smem:$0x3FFE];
	_ =	sdelay $0x1  }
0x8a: {  	s1 =	srdreg.scid  }
0x8b: {  	s0 =	sand.u32 $0x1, s1  }
0x8c: {  	s17 =	sshll.u32 s0, $0xA;
	s2 =	sadd.s32 s3, s2  }
0x8d: {  	s2 =	sadd.s32 s2, s17  }
0x8e: {  	[smem:$0x3FC0] =	sst s2  }
0x8f: {  	_ = 	snop  }
0x90: {  	s2 =	sld [smem:$0x3FD0];
	(tm) =	ssettm $0x1  }
0x91: {  	s18 =	sld [smem:$0x3FFB];
	_ =	sdelay $0x3  }
0x92: {  	_ =	strace s18  }
0x93: {  	s3 =	sld [smem:$0x3FFC];
	_ =	sdelay $0x3  }
0x94: {  	_ =	strace s3  }
0x95: {  	s3 =	sld [smem:$0x3FFD];
	_ =	sdelay $0x3  }
0x96: {  	_ =	strace s3  }
0x97: {  	_ =	strace $0x8FFFFFFF  }
0x98: {  	s19 =	sld [smem:$0x3FDB];
	_ =	sdelay $0x1  }
0x99: {  	s4 =	simm.s32 $_scs_section_size  }
0x9a: {  	s5 =	simm.s32 $_size__tile_overlayer_lowered;
	s6 =	simm.s32 $_tile_overlayer_lowered  }
0x9b: {  	s22 =	simm.s32 $0x1BFF;
	s21 =	sshll.u32 s6, $0x1;
	s3 =	sadd.s32 s4, s19  }
0x9c: {  	s7 =	simm.s32 $0x0;
	s20 =	sshll.u32 s5, $0x1;
	s5 =	sadd.s32 s21, s3  }
0x9d: {  	[timem:s7], [sflag:s22] =	dma.local [hbm:s5], s20  }
0x9e: {  	_ =	swait.ge [sflag:s22], s20  }
0x9f: {  	s4 =	ssub.s32 $0x0, s20;
	[sflag:s22] =	ssyncset.done $0x0  }
0xa0: {  	[sflag:s22] =	ssyncadd.s32 s4;
	_ =	sdelay $0x1  }
0xa1: {  	s23 =	simm.s32 $0x1B8B  }
0xa2: {  	_ =	swait.ge [sflag:s23], $0x1  }
0xa3: {  	[sflag:s23] =	ssyncset.done $0x0  }
0xa4: {  	s25 =	simm.s32 $0x1B8E;
	s24 =	sld [smem:$0x3FFE];
	[sflag:s23] =	ssyncadd.s32 $0xFFFFFFFF  }
0xa5: {  	s26 =	simm.s32 $execute0_lowered;
	[smem:$0x3FD2] =	sst s25  }
0xa6: {  	s5 =	sshll.u32 s26, $0x1;
	_ =	strace $0x80000049;
	[dreg:$0x1] =	wrdreg $0xFFFFFFFF  }
0xa7: {  	s28 =	simm.s32 $_size_execute0_lowered;
	s3 =	sadd.s32 s3, s5;
	[dreg:$0x0] =	wrdreg $0x0  }
0xa8: {  	s5 =	sshll.u32 s28, $0x1;
	[dreg:$0x2] =	wrdreg s3  }
0xa9: {  	[dreg:$0x3] =	wrdreg s5  }
0xaa: {  	[dreg:$0x4] =	wrdreg $0xC0  }
0xab: {  	_ =	task [dreg:s7], $0x5FFFF  }
0xac: {  	[dreg:$0x1] =	wrdreg $0xFFFFFFFF  }
0xad: {  	[dreg:$0x0] =	wrdreg $0x60  }
0xae: {  	[dreg:$0x2] =	wrdreg s2  }
0xaf: {  	[dreg:$0x3] =	wrdreg s24  }
0xb0: {  	[dreg:$0x4] =	wrdreg $0xA8000  }
0xb1: {  	[dreg:$0x5] =	wrdreg $0x9  }
0xb2: {  	_ =	task.clear_ibuf [dreg:s7], $0x6FFFF;
	_ =	strace $0x90000049  }
0xb3: {  	s29 =	simm.s32 $0x9;
	_ =	strace $0x8000004B  }
0xb4: {  	_ =	swait.ge [sflag:s29], $0x1  }
0xb5: {  	[sflag:s29] =	ssyncadd.s32 $0xFFFFFFFF  }
0xb6: {  	_ =	strace $0x9000004B  }
0xb7: {  	_ =	sfence  }
0xb8: {  	s30 =	sld [smem:$0x0];
	_ =	sdelay $0x2  }
0xb9: {  	s31 =	sshll.u32 s1, $0xD;
	s1 =	sshrl.u32 s1, $0x2  }
0xba: {  	s3 =	sand.u32 $0x4000, s31;
	s1 =	sadd.s32 s1, s30  }
0xbb: {  	s0 =	sor.u32 s3, s0;
	s1 =	sshll.u32 s1, $0x11  }
0xbc: {  	s0 =	sor.u32 s1, s0  }
0xbd: {  	s0 =	sadd.s32 $0x8F2B, s0  }
0xbe: {  	[sflag:s0] =	ssyncadd.remote.s32 $0x1  }
0xbf: {  	_ =	sfence.sel $0xFFFF  }
0xc0: {  	[dreg:$0x0] =	wrdreg $0xFFFFFFFF;
	(pc) =	sbr.abs _section_cstart, $3  }
0xc1: {  	[dreg:$0x1] =	wrdreg $0xFFFFFFFF  }
0xc2: {  	_ =	task.clear_ibuf [dreg:s7], $0x2FFFF;
	_ =	strace $0x9FFFFFFF  }
0xc3: {  	(tm) =	ssettm $0x7FFFFFFF  }
tec
execute0_lowered:
.L_overlay_start_1:
0x0: {  	(tag) =	ssettag $0x1  }
0x1: {  	s0 =	rddreg [dreg:$0x0]  }
0x2: {  	s5 =	rddreg [dreg:$0x1]  }
0x3: {  	s1 =	srdreg.scid;
	s3 =	rddreg [dreg:$0x2]  }
0x4: {  	s2 =	stileid.u32;
	s4 =	simm.s32 $0x0;
	s18 =	simm.s32 $0x8000  }
0x5: {  	s19 =	simm.s32 $0x9400;
	s20 =	simm.s32 $0x7D;
	s21 =	simm.s32 $0x8080  }
0x6: {  	s22 =	simm.s32 $0x4000;
	s23 =	simm.s32 $0x1;
	s24 =	simm.s32 $0x2  }
0x7: {  	s25 =	simm.s32 $0xA700;
	s28 =	simm.s32 $0x0;
	s6 =	sand.u32 $0x1, s1  }
0x8: {  	s8 =	smul.u32 $0x14000, s2;
	[smem:$0x7FF] =	sst s4;
	s13 =	sadd.s32 $0xC400, s5  }
0x9: {  	s14 =	sadd.s32 $0x2400, s5;
	s26 =	smul.u32 $0x50000, s2;
	s30 =	sshll.u32 s2, $0x1  }
0xa: {  	s7 =	smul.u32 $0x140000, s6;
	s29 =	ssub.s32 $0x2, s6;
	s6 =	sor.u32 s6, s30  }
0xb: {  	_ =	strace $0x8000004A;
	s9 =	sshrl.u32 s29, $0x1;
	s11 =	smul.u32 $0x2800, s6  }
0xc: {  	s31 =	sshrl.u32 s26, $0x2;
	s26 =	simm.s32 $0xA780;
	s7 =	sadd.s32 s8, s7  }
0xd: {  	s16 =	ssub.s32 s29, s9;
	s7 =	sshrl.u32 s7, $0x3;
	s17 =	sshrl.u32 s11, $0x3  }
0xe: {  	s16 =	smax.u32 s16, $0x1;
	s15 =	sadd.s32 s7, s5;
	s5 =	sadd.s32 s31, s3  }
0xf: {  	s11 =	sadd.s32 s13, s17;
	s12 =	sadd.s32 s14, s17;
	s17 =	sadd.s32 $0x280, s17  }
0x10: {  	s6 =	sadd.s32 $0x3E80, s5;
	s7 =	sadd.s32 $0x7D00, s5;
	s8 =	sadd.s32 $0xBB80, s5  }
0x11: {  	s9 =	sadd.s32 $0xFA00, s5;
	s10 =	sadd.s32 $0x13880, s5;
	s13 =	sadd.s32 s13, s17  }
0x12: {  	v0 =	vimm.f32 $0.0e+00;
	s14 =	sadd.s32 s14, s17;
	s15 =	sadd.s32 $0x16E00, s15;
	s17 =	simm.s32 $0x3  }
.LBB2_1:
0x13: {  	s29 =	sand.u32 $0xFE00, s4  }
0x14: {  	s30 =	sand.u32 $0x70, s4;
	s31 =	sshrl.u32 s29, $0x2  }
0x15: {  	s29 =	simm.s32 $0x40;
	s31 =	sor.u32 s30, s31;
	s30 =	simm.s32 $0x0  }
.LBB2_2:
0x16: {  	p0 =	sne.s32 s29, $0xF9C0  }
0x17: {  	[tilespmem:s31+$0x0] =	vst v0;
	s30 =	sadd.s32 $0x10, s30;
	s31 =	smov.u32 s29;
	s29 =	sadd.s32 $0x40, s29  }
.Ltmp0:
0x18: {  	(pc) =	sbr.rel @p0 .LBB2_2-.Ltmp0, $4  }
0x19: {  	_ = 	snop  }
0x1a: {  	s31 =	sand.u32 $0xFE00, s31  }
0x1b: {  	s1 =	sand.u32 $0x70, s30;
	s31 =	sshrl.u32 s31, $0x2  }
0x1c: {  	s31 =	sor.u32 s1, s31  }
0x1d: {  	[tilespmem:s31+$0x0] =	vst v0;
	s1 =	simm.s32 $0x0  }
0x1e: {  	[spmem:s5] =	stream.linear.scatter [tilespmem:s1], [sflag:$0x3], $0x3E80, $0x38;
	[tilespmem:$0x1E800] =	vst v63  }
0x1f: {  	_ =	swait.ge [sflag:s17], $0x3E80  }
0x20: {  	[sflag:s17] =	ssyncset.done $0x0  }
0x21: {  	[sflag:s17] =	ssyncadd.s32 $0xFFFFC180  }
0x22: {  	[spmem:s6] =	stream.linear.scatter [tilespmem:s1], [sflag:$0x3], $0x3E80, $0x38;
	[tilespmem:$0x1E800] =	vst v63  }
0x23: {  	_ =	swait.ge [sflag:s17], $0x3E80  }
0x24: {  	[sflag:s17] =	ssyncset.done $0x0  }
0x25: {  	[sflag:s17] =	ssyncadd.s32 $0xFFFFC180  }
0x26: {  	[spmem:s7] =	stream.linear.scatter [tilespmem:s1], [sflag:$0x3], $0x3E80, $0x38;
	[tilespmem:$0x1E800] =	vst v63  }
0x27: {  	_ =	swait.ge [sflag:s17], $0x3E80  }
0x28: {  	[sflag:s17] =	ssyncset.done $0x0  }
0x29: {  	[sflag:s17] =	ssyncadd.s32 $0xFFFFC180  }
0x2a: {  	[spmem:s8] =	stream.linear.scatter [tilespmem:s1], [sflag:$0x3], $0x3E80, $0x38;
	[tilespmem:$0x1E800] =	vst v63  }
0x2b: {  	_ =	swait.ge [sflag:s17], $0x3E80  }
0x2c: {  	[sflag:s17] =	ssyncset.done $0x0  }
0x2d: {  	[sflag:s17] =	ssyncadd.s32 $0xFFFFC180  }
0x2e: {  	[spmem:s9] =	stream.linear.scatter [tilespmem:s1], [sflag:$0x3], $0x3E80, $0x38;
	[tilespmem:$0x1E800] =	vst v63  }
0x2f: {  	_ =	swait.ge [sflag:s17], $0x3E80  }
0x30: {  	[sflag:s17] =	ssyncset.done $0x0  }
0x31: {  	[sflag:s17] =	ssyncadd.s32 $0xFFFFC180  }
0x32: {  	[spmem:s10] =	stream.linear.scatter [tilespmem:s1], [sflag:$0x3], $0x780, $0x38;
	[tilespmem:$0x1E800] =	vst v63  }
0x33: {  	_ =	swait.ge [sflag:s17], $0x780  }
0x34: {  	[sflag:s17] =	ssyncset.done $0x0  }
0x35: {  	[sflag:s17] =	ssyncadd.s32 $0xFFFFF880  }
0x36: {  	[bflag:$0x0] =	sbarrier.arrive $0xFFFF  }
0x37: {  	[tilespmem:s18], [sflag:$0x3] =	stream.linear.gather [hbm4b:s11+s1], $0x1400, $0x38;
	[tilespmem:$0x1E800] =	vst v63  }
0x38: {  	_ =	swait.ge [sflag:s17], $0x1400  }
0x39: {  	[sflag:s17] =	ssyncset.done $0x0  }
0x3a: {  	[sflag:s17] =	ssyncadd.s32 $0xFFFFEC00  }
0x3b: {  	[tilespmem:s19], [sflag:$0x3] =	stream.linear.gather [hbm4b:s12+s1], $0x1400, $0x38;
	[tilespmem:$0x1E800] =	vst v63  }
0x3c: {  	_ =	swait.ge [sflag:s17], $0x1400  }
0x3d: {  	[sflag:s17] =	ssyncset.done $0x0  }
0x3e: {  	[sflag:s17] =	ssyncadd.s32 $0xFFFFEC00  }
0x3f: {  	[tilespmem:s1], [sflag:$0x1] =	stream.indirect.gather [hbm4b:s0+s20], $0x80, s18, s20, $0xb8;
	[tilespmem:$0x1E800] =	vst v63  }
0x40: {  	_ = 	snop  }
0x41: {  	[tilespmem:s22], [sflag:$0x2] =	stream.indirect.gather [hbm4b:s0+s20], $0x80, s21, s20, $0xb8;
	[tilespmem:$0x1E800] =	vst v63  }
0x42: {  	_ =	swait.ge [sflag:s23], $0x3E80  }
0x43: {  	[sflag:s23] =	ssyncset.done $0x0  }
0x44: {  	s31 =	simm.s32 $0x9400;
	[sflag:s23] =	ssyncadd.s32 $0xFFFFC180  }
0x45: {  	[spmem:s3] =	stream.indirect.scatter.add.f32 [tilespmem:s4], [sflag:$0x3], $0x80, s31, s20, $0xb8;
	[tilespmem:$0x1E800] =	vst v63  }
0x46: {  	_ =	swait.ge [sflag:s17], $0x3E80  }
0x47: {  	[sflag:s17] =	ssyncset.done $0x0  }
0x48: {  	s31 =	simm.s32 $0x8100;
	[sflag:s17] =	ssyncadd.s32 $0xFFFFC180  }
0x49: {  	[tilespmem:s4], [sflag:$0x1] =	stream.indirect.gather [hbm4b:s0+s20], $0x80, s31, s20, $0xb8;
	[tilespmem:$0x1E800] =	vst v63  }
0x4a: {  	_ =	swait.ge [sflag:s24], $0x3E80  }
0x4b: {  	[sflag:s24] =	ssyncset.done $0x0  }
0x4c: {  	s31 =	simm.s32 $0x9480;
	[sflag:s24] =	ssyncadd.s32 $0xFFFFC180  }
0x4d: {  	[spmem:s3] =	stream.indirect.scatter.add.f32 [tilespmem:s22], [sflag:$0x3], $0x80, s31, s20, $0xb8;
	[tilespmem:$0x1E800] =	vst v63  }
0x4e: {  	_ =	swait.ge [sflag:s17], $0x3E80  }
0x4f: {  	[sflag:s17] =	ssyncset.done $0x0  }
0x50: {  	s29 =	simm.s32 $0x400;
	s30 =	simm.s32 $0x8180;
	[sflag:s17] =	ssyncadd.s32 $0xFFFFC180  }
.LBB2_4:
0x51: {  	[tilespmem:s22], [sflag:$0x2] =	stream.indirect.gather [hbm4b:s0+s20], $0x80, s30, s20, $0xb8;
	[tilespmem:$0x1E800] =	vst v63  }
0x52: {  	s1 =	smov.u32 s29  }
0x53: {  	p0 =	sne.s32 s29, $0x4800;
	s29 =	sadd.s32 $0x400, s29;
	_ =	swait.ge [sflag:s23], $0x3E80  }
0x54: {  	s1 =	sshra.s32 s1, $0x2;
	[sflag:s23] =	ssyncset.done $0x0  }
0x55: {  	s30 =	sadd.s32 $0x9400, s1;
	[sflag:s23] =	ssyncadd.s32 $0xFFFFC180  }
0x56: {  	[spmem:s3] =	stream.indirect.scatter.add.f32 [tilespmem:s4], [sflag:$0x3], $0x80, s30, s20, $0xb8;
	[tilespmem:$0x1E800] =	vst v63  }
0x57: {  	_ =	swait.ge [sflag:s17], $0x3E80  }
0x58: {  	[sflag:s17] =	ssyncset.done $0x0  }
0x59: {  	s30 =	sadd.s32 $0x8100, s1;
	[sflag:s17] =	ssyncadd.s32 $0xFFFFC180  }
0x5a: {  	[tilespmem:s4], [sflag:$0x1] =	stream.indirect.gather [hbm4b:s0+s20], $0x80, s30, s20, $0xb8;
	[tilespmem:$0x1E800] =	vst v63  }
0x5b: {  	_ =	swait.ge [sflag:s24], $0x3E80  }
0x5c: {  	[sflag:s24] =	ssyncset.done $0x0  }
.Ltmp1:
0x5d: {  	s30 =	sadd.s32 $0x9480, s1;
	[sflag:s24] =	ssyncadd.s32 $0xFFFFC180;
	(pc) =	sbr.rel @p0 .LBB2_4-.Ltmp1, $4  }
0x5e: {  	[spmem:s3] =	stream.indirect.scatter.add.f32 [tilespmem:s22], [sflag:$0x3], $0x80, s30, s20, $0xb8;
	[tilespmem:$0x1E800] =	vst v63  }
0x5f: {  	_ =	swait.ge [sflag:s17], $0x3E80  }
0x60: {  	[sflag:s17] =	ssyncset.done $0x0  }
0x61: {  	s30 =	sadd.s32 $0x8180, s1;
	[sflag:s17] =	ssyncadd.s32 $0xFFFFC180  }
0x62: {  	[tilespmem:s22], [sflag:$0x2] =	stream.indirect.gather [hbm4b:s0+s20], $0x80, s30, s20, $0xb8;
	[tilespmem:$0x1E800] =	vst v63  }
0x63: {  	_ =	swait.ge [sflag:s23], $0x3E80  }
0x64: {  	[sflag:s23] =	ssyncset.done $0x0  }
0x65: {  	s1 =	simm.s32 $0x0;
	[sflag:s23] =	ssyncadd.s32 $0xFFFFC180  }
0x66: {  	[spmem:s3] =	stream.indirect.scatter.add.f32 [tilespmem:s1], [sflag:$0x3], $0x80, s25, s20, $0xb8;
	[tilespmem:$0x1E800] =	vst v63  }
0x67: {  	_ =	swait.ge [sflag:s17], $0x3E80  }
0x68: {  	[sflag:s17] =	ssyncset.done $0x0  }
0x69: {  	[sflag:s17] =	ssyncadd.s32 $0xFFFFC180  }
0x6a: {  	_ =	swait.ge [sflag:s24], $0x3E80  }
0x6b: {  	[sflag:s24] =	ssyncset.done $0x0  }
0x6c: {  	[sflag:s24] =	ssyncadd.s32 $0xFFFFC180  }
0x6d: {  	[spmem:s3] =	stream.indirect.scatter.add.f32 [tilespmem:s22], [sflag:$0x3], $0x80, s26, s20, $0xb8;
	[tilespmem:$0x1E800] =	vst v63  }
0x6e: {  	_ =	swait.ge [sflag:s17], $0x3E80  }
0x6f: {  	[sflag:s17] =	ssyncset.done $0x0  }
0x70: {  	[sflag:s17] =	ssyncadd.s32 $0xFFFFC180  }
0x71: {  	[tilespmem:s18], [sflag:$0x3] =	stream.linear.gather [hbm4b:s13+s1], $0x1400, $0x38;
	[tilespmem:$0x1E800] =	vst v63  }
0x72: {  	_ =	swait.ge [sflag:s17], $0x1400  }
0x73: {  	[sflag:s17] =	ssyncset.done $0x0  }
0x74: {  	[sflag:s17] =	ssyncadd.s32 $0xFFFFEC00  }
0x75: {  	[tilespmem:s19], [sflag:$0x3] =	stream.linear.gather [hbm4b:s14+s1], $0x1400, $0x38;
	[tilespmem:$0x1E800] =	vst v63  }
0x76: {  	_ =	swait.ge [sflag:s17], $0x1400  }
0x77: {  	[sflag:s17] =	ssyncset.done $0x0  }
0x78: {  	[sflag:s17] =	ssyncadd.s32 $0xFFFFEC00  }
0x79: {  	[tilespmem:s1], [sflag:$0x1] =	stream.indirect.gather [hbm4b:s0+s20], $0x80, s18, s20, $0xb8;
	[tilespmem:$0x1E800] =	vst v63  }
0x7a: {  	_ = 	snop  }
0x7b: {  	[tilespmem:s22], [sflag:$0x2] =	stream.indirect.gather [hbm4b:s0+s20], $0x80, s21, s20, $0xb8;
	[tilespmem:$0x1E800] =	vst v63  }
0x7c: {  	_ =	swait.ge [sflag:s23], $0x3E80  }
0x7d: {  	[sflag:s23] =	ssyncset.done $0x0  }
0x7e: {  	s31 =	simm.s32 $0x9400;
	[sflag:s23] =	ssyncadd.s32 $0xFFFFC180  }
0x7f: {  	[spmem:s3] =	stream.indirect.scatter.add.f32 [tilespmem:s4], [sflag:$0x3], $0x80, s31, s20, $0xb8;
	[tilespmem:$0x1E800] =	vst v63  }
0x80: {  	_ =	swait.ge [sflag:s17], $0x3E80  }
0x81: {  	[sflag:s17] =	ssyncset.done $0x0  }
0x82: {  	s31 =	simm.s32 $0x8100;
	[sflag:s17] =	ssyncadd.s32 $0xFFFFC180  }
0x83: {  	[tilespmem:s4], [sflag:$0x1] =	stream.indirect.gather [hbm4b:s0+s20], $0x80, s31, s20, $0xb8;
	[tilespmem:$0x1E800] =	vst v63  }
0x84: {  	_ =	swait.ge [sflag:s24], $0x3E80  }
0x85: {  	[sflag:s24] =	ssyncset.done $0x0  }
0x86: {  	s31 =	simm.s32 $0x9480;
	[sflag:s24] =	ssyncadd.s32 $0xFFFFC180  }
0x87: {  	[spmem:s3] =	stream.indirect.scatter.add.f32 [tilespmem:s22], [sflag:$0x3], $0x80, s31, s20, $0xb8;
	[tilespmem:$0x1E800] =	vst v63  }
0x88: {  	_ =	swait.ge [sflag:s17], $0x3E80  }
0x89: {  	[sflag:s17] =	ssyncset.done $0x0  }
0x8a: {  	s29 =	simm.s32 $0x400;
	s30 =	simm.s32 $0x8180;
	[sflag:s17] =	ssyncadd.s32 $0xFFFFC180  }
.LBB2_6:
0x8b: {  	[tilespmem:s22], [sflag:$0x2] =	stream.indirect.gather [hbm4b:s0+s20], $0x80, s30, s20, $0xb8;
	[tilespmem:$0x1E800] =	vst v63  }
0x8c: {  	s1 =	smov.u32 s29  }
0x8d: {  	p0 =	sne.s32 s29, $0x4800;
	s29 =	sadd.s32 $0x400, s29;
	_ =	swait.ge [sflag:s23], $0x3E80  }
0x8e: {  	s1 =	sshra.s32 s1, $0x2;
	[sflag:s23] =	ssyncset.done $0x0  }
0x8f: {  	s30 =	sadd.s32 $0x9400, s1;
	[sflag:s23] =	ssyncadd.s32 $0xFFFFC180  }
0x90: {  	[spmem:s3] =	stream.indirect.scatter.add.f32 [tilespmem:s4], [sflag:$0x3], $0x80, s30, s20, $0xb8;
	[tilespmem:$0x1E800] =	vst v63  }
0x91: {  	_ =	swait.ge [sflag:s17], $0x3E80  }
0x92: {  	[sflag:s17] =	ssyncset.done $0x0  }
0x93: {  	s30 =	sadd.s32 $0x8100, s1;
	[sflag:s17] =	ssyncadd.s32 $0xFFFFC180  }
0x94: {  	[tilespmem:s4], [sflag:$0x1] =	stream.indirect.gather [hbm4b:s0+s20], $0x80, s30, s20, $0xb8;
	[tilespmem:$0x1E800] =	vst v63  }
0x95: {  	_ =	swait.ge [sflag:s24], $0x3E80  }
0x96: {  	[sflag:s24] =	ssyncset.done $0x0  }
.Ltmp2:
0x97: {  	s30 =	sadd.s32 $0x9480, s1;
	[sflag:s24] =	ssyncadd.s32 $0xFFFFC180;
	(pc) =	sbr.rel @p0 .LBB2_6-.Ltmp2, $4  }
0x98: {  	[spmem:s3] =	stream.indirect.scatter.add.f32 [tilespmem:s22], [sflag:$0x3], $0x80, s30, s20, $0xb8;
	[tilespmem:$0x1E800] =	vst v63  }
0x99: {  	_ =	swait.ge [sflag:s17], $0x3E80  }
0x9a: {  	[sflag:s17] =	ssyncset.done $0x0  }
0x9b: {  	s30 =	sadd.s32 $0x8180, s1;
	[sflag:s17] =	ssyncadd.s32 $0xFFFFC180  }
0x9c: {  	[tilespmem:s22], [sflag:$0x2] =	stream.indirect.gather [hbm4b:s0+s20], $0x80, s30, s20, $0xb8;
	[tilespmem:$0x1E800] =	vst v63  }
0x9d: {  	_ =	swait.ge [sflag:s23], $0x3E80  }
0x9e: {  	[sflag:s23] =	ssyncset.done $0x0  }
0x9f: {  	[sflag:s23] =	ssyncadd.s32 $0xFFFFC180  }
0xa0: {  	[spmem:s3] =	stream.indirect.scatter.add.f32 [tilespmem:s4], [sflag:$0x3], $0x80, s25, s20, $0xb8;
	[tilespmem:$0x1E800] =	vst v63  }
0xa1: {  	_ =	swait.ge [sflag:s17], $0x3E80  }
0xa2: {  	[sflag:s17] =	ssyncset.done $0x0  }
0xa3: {  	[sflag:s17] =	ssyncadd.s32 $0xFFFFC180  }
0xa4: {  	_ =	swait.ge [sflag:s24], $0x3E80  }
0xa5: {  	[sflag:s24] =	ssyncset.done $0x0  }
0xa6: {  	[sflag:s24] =	ssyncadd.s32 $0xFFFFC180  }
0xa7: {  	[spmem:s3] =	stream.indirect.scatter.add.f32 [tilespmem:s22], [sflag:$0x3], $0x80, s26, s20, $0xb8;
	[tilespmem:$0x1E800] =	vst v63  }
0xa8: {  	_ =	swait.ge [sflag:s17], $0x3E80  }
0xa9: {  	s1 =	sshll.u32 s2, $0x6;
	s28 =	sadd.s32 $0x1, s28;
	[sflag:s17] =	ssyncset.done $0x0  }
0xaa: {  	s29 =	sshrl.u32 s5, $0x3;
	p0 =	sne.s32 s28, s16;
	[sflag:s17] =	ssyncadd.s32 $0xFFFFC180  }
.Ltmp3:
0xab: {  	s1 =	sor.u32 $0x1C03, s1;
	[bflag:$0x0] =	sbarrier.arrive $0xFFFF;
	(pc) =	sbr.rel @p0 .LBB2_1-.Ltmp3, $4  }
0xac: {  	[hbm:s15], [sflag:s1] =	dma.local [spmem:s29], $0x2800  }
0xad: {  	_ =	swait.ge [sflag:s17], $0x2800  }
0xae: {  	[sflag:s17] =	ssyncset.done $0x0  }
0xaf: {  	[sflag:s17] =	ssyncadd.s32 $0xFFFFD800  }
0xb0: {  	_ =	sfence.sel $0x180000  }
0xb1: {  	[bflag:$0x0] =	sbarrier.arrive $0xFFFF  }
0xb2: {  	_ =	strace $0x9000004A  }
0xb3: {  	[bflag:$0x2] =	sbarrier.arrive $0xFFFF  }
0xb4: {  	p0 =	sne.s32 s2, $0x0;
	s0 =	rddreg [dreg:$0x3]  }
0xb5: {  	s0 =	sadd.s32 @!p0 $0x100000, s0  }
0xb6: {  	[sflag:s0] =	ssyncadd.tile.s32 @!p0 $0x1;
	_ =	shalt  }
.Lfunc_end2:
_tile_overlayer_lowered:
.L_overlay_start_2:
0xb7: {  	(tag) =	ssettag $0x2  }
0xb8: {  	s0 =	rddreg [dreg:$0x0];
	s2 =	stileid.u32  }
0xb9: {  	s1 =	rddreg [dreg:$0x1];
	p0 =	sne.s32 s2, $0x0  }
0xba: {  	s3 =	rddreg [dreg:$0x2];
	[bflag:$0x3] =	sbarrier.arrive $0xFFFF;
	s2 =	simm.s32 @!p0 $0x1C03  }
0xbb: {  	[timem:s3], [sflag:s2] =	dma.local @!p0 [hbm:s0], s1  }
0xbc: {  	s0 =	simm.s32 @!p0 $0x3  }
0xbd: {  	_ =	swait.ge @!p0 [sflag:s0], s1  }
0xbe: {  	s1 =	ssub.s32 @!p0 $0x0, s1;
	[sflag:s0] =	ssyncset.done @!p0 $0x0  }
0xbf: {  	[sflag:s0] =	ssyncadd.s32 @!p0 s1  }
0xc0: {  	[bflag:$0x3] =	sbarrier.arrive $0xFFFF  }
0xc1: {  	_ =	shalt  }

// kernel: kernel.7.cloned.1.call-start
scs
__scs_entry_jumppad:
0x0: {  	(pc) =	sbr.rel $0x88, $3  }
0x1: {  	(tag) =	ssettag $0x0;
	lr =	simm.s32 $0x1  }
0x2: {  	[smem:$0x3F99] =	sst lr;
	_ =	strace $0xD0000000  }
0x3: {  	_ = 	snop  }
0x4: {  	_ = 	snop  }
0x5: {  	_ = 	snop  }
0x6: {  	_ = 	snop  }
0x7: {  	_ = 	snop  }
__scs_overlays_trampoline_lowered:
0x8: {  	[smem:$0x3FA8] =	sst s0  }
0x9: {  	[smem:$0x3FA9] =	sst s1  }
0xa: {  	[smem:$0x3FAA] =	sst s2  }
0xb: {  	[smem:$0x3FAB] =	sst s3  }
0xc: {  	[smem:$0x3FAC] =	sst s4  }
0xd: {  	[smem:$0x3FAD] =	sst s5  }
0xe: {  	[smem:$0x3FAE] =	sst s6  }
0xf: {  	[smem:$0x3FAF] =	sst s7  }
0x10: {  	[smem:$0x3FB0] =	sst s8  }
0x11: {  	[smem:$0x3FB1] =	sst s9;
	s0 =	simm.s32 @!p0 $0x0  }
0x12: {  	s1 =	sld [smem:$0x3F97];
	s0 =	simm.s32 @p0 $0x1  }
0x13: {  	[smem:$0x3FB2] =	sst s0;
	s0 =	simm.s32 @!p1 $0x0  }
0x14: {  	s2 =	sld [smem:$0x3F96];
	s0 =	simm.s32 @p1 $0x1  }
0x15: {  	[smem:$0x3FB3] =	sst s0;
	s0 =	simm.s32 @!p2 $0x0  }
0x16: {  	s3 =	sld [smem:$0x3FDB];
	s0 =	simm.s32 @p2 $0x1  }
0x17: {  	s4 =	simm.s32 $0x1BF5;
	[smem:$0x3FB5] =	sst s0  }
0x18: {  	s0 =	sld [smem:$0x3F98];
	_ =	swait.ge [sflag:s4], $0x0  }
0x19: {  	s7 =	sld [smem:$0x3F99]  }
0x1a: {  	s8 =	sadd.s32 $0xFFFFE003, lr  }
0x1b: {  	s9 =	sadd.s32 $0xFFFFFEF7, lr;
	s5 =	simm.s32 $0xFFFFFFFF;
	p2 =	slt.u32 s8, $0xFFFFF086  }
0x1c: {  	p1 =	slt.u32 s9, $0xF7A;
	s5 =	simm.s32 @!p2 $0x0  }
0x1d: {  	s5 =	simm.s32 @p1 $0x1;
	p0 =	seq.s32 s7, s2  }
0x1e: {  	s7 =	smul.u32 @!p0 $0xF7A, s2;
	p2 =	seq.s32 @!p0 s5, $0x0  }
0x1f: {  	s9 =	smul.u32 $0xF7A, s1;
	s8 =	simm.s32 @!p0 $0x1BF5;
	p2 =	por !p2, p0  }
0x20: {  	[sflag:s8] =	ssyncset.s32 @!p0 $0xFFFFF086;
	s6 =	sadd.s32 @!p0 s3, s7;
	s7 =	simm.s32 @!p0 $0x108  }
0x21: {  	s3 =	sadd.s32 s3, s9;
	s6 =	sadd.s32 @!p0 $0x88, s6;
	s7 =	simm.s32 @p2 $0x1082  }
0x22: {  	[simem:s7], [sflag:s8] =	dma.local @!p0 [hbm:s6], $0xF7A  }
0x23: {  	s9 =	sor.u32 $0xD0000000, s2;
	s6 =	simm.s32 $0x108;
	_ =	swait.ge @!p0 [sflag:s8], $0x0  }
0x24: {  	s3 =	sadd.s32 $0x88, s3;
	s6 =	simm.s32 @!p1 $0x1082;
	[sflag:s4] =	ssyncset.s32 $0xFFFFF086  }
0x25: {  	[simem:s6], [sflag:s4] =	dma.local [hbm:s3], $0xF7A  }
0x26: {  	[smem:$0x3F99] =	sst s1;
	(tag) =	ssettag s2;
	_ =	strace s9  }
0x27: {  	s1 =	sld [smem:$0x3FA9]  }
0x28: {  	s2 =	sld [smem:$0x3FAA]  }
0x29: {  	s4 =	sld [smem:$0x3FAC]  }
0x2a: {  	p0 =	seq.s32 s5, $0x0;
	s5 =	sld [smem:$0x3FAD]  }
0x2b: {  	s6 =	sld [smem:$0x3FAE]  }
0x2c: {  	s7 =	sld [smem:$0x3FAF]  }
0x2d: {  	s3 =	simm.s32 $0x108;
	s8 =	sld [smem:$0x3FB0]  }
0x2e: {  	s3 =	simm.s32 @!p0 $0x1082;
	s9 =	sld [smem:$0x3FB1]  }
0x2f: {  	lr =	sadd.s32 s0, s3;
	s0 =	sld [smem:$0x3FA8]  }
0x30: {  	s3 =	sld [smem:$0x3FAB]  }
0x31: {  	[smem:$0x3FB4] =	sst s10  }
0x32: {  	s10 =	sld [smem:$0x3FB2];
	_ =	sdelay $0x3  }
0x33: {  	p0 =	seq.s32 s10, $0x1;
	s10 =	sld [smem:$0x3FB4];
	_ =	sdelay $0x3  }
0x34: {  	[smem:$0x3FB4] =	sst s10  }
0x35: {  	s10 =	sld [smem:$0x3FB3];
	_ =	sdelay $0x3  }
0x36: {  	p1 =	seq.s32 s10, $0x1;
	s10 =	sld [smem:$0x3FB4];
	_ =	sdelay $0x3  }
0x37: {  	[smem:$0x3FB4] =	sst s10  }
0x38: {  	s10 =	sld [smem:$0x3FB5]  }
0x39: {  	_ = 	snop;
	(pc) =	sbr.ind lr, $3  }
0x3a: {  	_ = 	snop  }
0x3b: {  	_ = 	snop  }
0x3c: {  	p2 =	seq.s32 s10, $0x1;
	s10 =	sld [smem:$0x3FB4]  }
0x3d: {  	_ =	shalt  }
0x3e: {  	_ =	shalt  }
0x3f: {  	_ =	shalt  }
0x40: {  	_ =	shalt  }
0x41: {  	_ =	shalt  }
0x42: {  	_ =	shalt  }
0x43: {  	_ =	shalt  }
0x44: {  	_ =	shalt  }
0x45: {  	_ =	shalt  }
0x46: {  	_ =	shalt  }
0x47: {  	_ =	shalt  }
0x48: {  	_ =	shalt  }
0x49: {  	_ =	shalt  }
0x4a: {  	_ =	shalt  }
0x4b: {  	_ =	shalt  }
0x4c: {  	_ =	shalt  }
0x4d: {  	_ =	shalt  }
0x4e: {  	_ =	shalt  }
0x4f: {  	_ =	shalt  }
0x50: {  	_ =	shalt  }
0x51: {  	_ =	shalt  }
0x52: {  	_ =	shalt  }
0x53: {  	_ =	shalt  }
0x54: {  	_ =	shalt  }
0x55: {  	_ =	shalt  }
0x56: {  	_ =	shalt  }
0x57: {  	_ =	shalt  }
0x58: {  	_ =	shalt  }
0x59: {  	_ =	shalt  }
0x5a: {  	_ =	shalt  }
0x5b: {  	_ =	shalt  }
0x5c: {  	_ =	shalt  }
0x5d: {  	_ =	shalt  }
0x5e: {  	_ =	shalt  }
0x5f: {  	_ =	shalt  }
0x60: {  	_ =	shalt  }
0x61: {  	_ =	shalt  }
0x62: {  	_ =	shalt  }
0x63: {  	_ =	shalt  }
0x64: {  	_ =	shalt  }
0x65: {  	_ =	shalt  }
0x66: {  	_ =	shalt  }
0x67: {  	_ =	shalt  }
0x68: {  	_ =	shalt  }
0x69: {  	_ =	shalt  }
0x6a: {  	_ =	shalt  }
0x6b: {  	_ =	shalt  }
0x6c: {  	_ =	shalt  }
0x6d: {  	_ =	shalt  }
0x6e: {  	_ =	shalt  }
0x6f: {  	_ =	shalt  }
0x70: {  	_ =	shalt  }
0x71: {  	_ =	shalt  }
0x72: {  	_ =	shalt  }
0x73: {  	_ =	shalt  }
0x74: {  	_ =	shalt  }
0x75: {  	_ =	shalt  }
0x76: {  	_ =	shalt  }
0x77: {  	_ =	shalt  }
0x78: {  	_ =	shalt  }
0x79: {  	_ =	shalt  }
0x7a: {  	_ =	shalt  }
0x7b: {  	_ =	shalt  }
0x7c: {  	_ =	shalt  }
0x7d: {  	_ =	shalt  }
0x7e: {  	_ =	shalt  }
0x7f: {  	_ =	shalt  }
0x80: {  	_ =	shalt  }
0x81: {  	_ =	shalt  }
0x82: {  	_ =	shalt  }
0x83: {  	_ =	shalt  }
0x84: {  	_ =	shalt  }
0x85: {  	_ =	shalt  }
0x86: {  	_ =	shalt  }
0x87: {  	_ =	shalt  }
.Lfunc_end0:
.L_simem_size_0:
called_computation_lowered:
.L_overlay_start_0:
0x88: {  	s2 =	sld [smem:$0x3FD9]  }
0x89: {  	s3 =	sld [smem:$0x3FFE];
	_ =	sdelay $0x1  }
0x8a: {  	s1 =	srdreg.scid  }
0x8b: {  	s0 =	sand.u32 $0x1, s1  }
0x8c: {  	s17 =	sshll.u32 s0, $0xA;
	s2 =	sadd.s32 s3, s2  }
0x8d: {  	s2 =	sadd.s32 s2, s17  }
0x8e: {  	[smem:$0x3FC0] =	sst s2  }
0x8f: {  	_ = 	snop  }
0x90: {  	s2 =	sld [smem:$0x3FC9]  }
0x91: {  	s18 =	sld [smem:$0x3FD0];
	(tm) =	ssettm $0x1  }
0x92: {  	s4 =	sld [smem:$0x3FFB];
	_ =	sdelay $0x3  }
0x93: {  	_ =	strace s4  }
0x94: {  	s4 =	sld [smem:$0x3FFC];
	_ =	sdelay $0x3  }
0x95: {  	_ =	strace s4  }
0x96: {  	s4 =	sld [smem:$0x3FFD];
	_ =	sdelay $0x3  }
0x97: {  	_ =	strace s4  }
0x98: {  	_ =	strace $0x8FFFFFFF  }
0x99: {  	s19 =	sld [smem:$0x3FDB];
	_ =	sdelay $0x1  }
0x9a: {  	s5 =	simm.s32 $_scs_section_size  }
0x9b: {  	s6 =	simm.s32 $_size__tile_overlayer_lowered;
	s7 =	simm.s32 $_tile_overlayer_lowered  }
0x9c: {  	s22 =	simm.s32 $0x1BFF;
	s21 =	sshll.u32 s7, $0x1;
	s4 =	sadd.s32 s5, s19  }
0x9d: {  	s8 =	simm.s32 $0x0;
	s20 =	sshll.u32 s6, $0x1;
	s6 =	sadd.s32 s21, s4  }
0x9e: {  	[timem:s8], [sflag:s22] =	dma.local [hbm:s6], s20  }
0x9f: {  	_ =	swait.ge [sflag:s22], s20  }
0xa0: {  	s5 =	ssub.s32 $0x0, s20;
	[sflag:s22] =	ssyncset.done $0x0  }
0xa1: {  	[sflag:s22] =	ssyncadd.s32 s5;
	_ =	sdelay $0x1  }
0xa2: {  	s23 =	simm.s32 $0x1B8B  }
0xa3: {  	_ =	swait.ge [sflag:s23], $0x1  }
0xa4: {  	[sflag:s23] =	ssyncset.done $0x0  }
0xa5: {  	s25 =	simm.s32 $0x1B8E;
	s24 =	sld [smem:$0x3FFE];
	[sflag:s23] =	ssyncadd.s32 $0xFFFFFFFF  }
0xa6: {  	s26 =	simm.s32 $execute0_lowered;
	[smem:$0x3FD2] =	sst s25  }
0xa7: {  	s6 =	sshll.u32 s26, $0x1;
	_ =	strace $0x80000046;
	[dreg:$0x1] =	wrdreg $0xFFFFFFFF  }
0xa8: {  	s28 =	simm.s32 $_size_execute0_lowered;
	s4 =	sadd.s32 s4, s6;
	[dreg:$0x0] =	wrdreg $0x0  }
0xa9: {  	s6 =	sshll.u32 s28, $0x1;
	[dreg:$0x2] =	wrdreg s4  }
0xaa: {  	[dreg:$0x3] =	wrdreg s6  }
0xab: {  	[dreg:$0x4] =	wrdreg $0xC0  }
0xac: {  	_ =	task [dreg:s8], $0x5FFFF  }
0xad: {  	[dreg:$0x1] =	wrdreg $0xFFFFFFFF  }
0xae: {  	[dreg:$0x0] =	wrdreg $0x60  }
0xaf: {  	[dreg:$0x2] =	wrdreg s2  }
0xb0: {  	[dreg:$0x3] =	wrdreg s24  }
0xb1: {  	[dreg:$0x4] =	wrdreg s18  }
0xb2: {  	[dreg:$0x5] =	wrdreg $0xAB000  }
0xb3: {  	[dreg:$0x6] =	wrdreg $0x1EB000  }
0xb4: {  	[dreg:$0x7] =	wrdreg $0x9  }
0xb5: {  	_ =	task.clear_ibuf [dreg:s8], $0x8FFFF;
	_ =	strace $0x90000046  }
0xb6: {  	s29 =	simm.s32 $0x9;
	_ =	strace $0x80000048  }
0xb7: {  	_ =	swait.ge [sflag:s29], $0x1  }
0xb8: {  	[sflag:s29] =	ssyncadd.s32 $0xFFFFFFFF  }
0xb9: {  	_ =	strace $0x90000048  }
0xba: {  	_ =	sfence  }
0xbb: {  	s30 =	sld [smem:$0x0];
	_ =	sdelay $0x2  }
0xbc: {  	s31 =	sshll.u32 s1, $0xD;
	s1 =	sshrl.u32 s1, $0x2  }
0xbd: {  	s3 =	sand.u32 $0x4000, s31;
	s1 =	sadd.s32 s1, s30  }
0xbe: {  	s0 =	sor.u32 s3, s0;
	s1 =	sshll.u32 s1, $0x11  }
0xbf: {  	s0 =	sor.u32 s1, s0  }
0xc0: {  	s0 =	sadd.s32 $0x8F2B, s0  }
0xc1: {  	[sflag:s0] =	ssyncadd.remote.s32 $0x1  }
0xc2: {  	_ =	sfence.sel $0xFFFF  }
0xc3: {  	[dreg:$0x0] =	wrdreg $0xFFFFFFFF;
	(pc) =	sbr.abs _section_cstart, $3  }
0xc4: {  	[dreg:$0x1] =	wrdreg $0xFFFFFFFF  }
0xc5: {  	_ =	task.clear_ibuf [dreg:s8], $0x2FFFF;
	_ =	strace $0x9FFFFFFF  }
0xc6: {  	(tm) =	ssettm $0x7FFFFFFF  }
0xc7: {  	_ =	shalt  }
tec
execute0_lowered:
.L_overlay_start_1:
0x0: {  	(tag) =	ssettag $0x1  }
0x1: {  	s0 =	rddreg [dreg:$0x0]  }
0x2: {  	s1 =	rddreg [dreg:$0x1]  }
0x3: {  	s2 =	rddreg [dreg:$0x2]  }
0x4: {  	s3 =	rddreg [dreg:$0x3]  }
0x5: {  	s5 =	srdreg.scid;
	s4 =	rddreg [dreg:$0x4]  }
0x6: {  	s14 =	stileid.u32;
	s20 =	simm.s32 $0x3;
	s28 =	simm.s32 $0x1  }
0x7: {  	s29 =	simm.s32 $0xA800;
	s30 =	simm.s32 $0x2;
	s8 =	smul.u32 $0x14000, s14  }
0x8: {  	s31 =	simm.s32 $0xA700;
	s21 =	simm.s32 $0x0;
	s9 =	smul.u32 $0x50000, s14  }
0x9: {  	s7 =	sand.u32 $0x1, s5;
	s5 =	simm.s32 $0x0;
	s12 =	smul.u32 $0xA00, s14  }
0xa: {  	s15 =	sadd.s32 $0xC400, s1;
	s16 =	sadd.s32 $0x2400, s1;
	s18 =	smul.u32 $0x500, s14  }
0xb: {  	s24 =	sshll.u32 s14, $0x1;
	s6 =	smul.u32 $0x140000, s7;
	[smem:$0x7FF] =	sst s5  }
0xc: {  	s22 =	ssub.s32 $0x2, s7;
	s10 =	sor.u32 s7, s24;
	s7 =	sshll.u32 s7, $0x7  }
0xd: {  	s24 =	simm.s32 $0x7D;
	_ =	strace $0x80000047;
	s23 =	sshrl.u32 s22, $0x1  }
0xe: {  	s9 =	sshrl.u32 s9, $0x2;
	s13 =	smul.u32 $0x2800, s10;
	s12 =	sshrl.u32 s12, $0x2  }
0xf: {  	s7 =	sor.u32 s7, s18;
	s6 =	sadd.s32 s8, s6;
	s8 =	ssub.s32 s22, s23  }
0x10: {  	s12 =	sadd.s32 s12, s4;
	s7 =	sshrl.u32 s7, $0x3;
	s22 =	simm.s32 $0x8000  }
0x11: {  	s23 =	simm.s32 $0x9400;
	s6 =	sshrl.u32 s6, $0x3;
	s17 =	sshrl.u32 s13, $0x3  }
0x12: {  	s18 =	sadd.s32 s2, s7;
	s19 =	smax.u32 s8, $0x1;
	s1 =	sadd.s32 s6, s1  }
0x13: {  	s6 =	sadd.s32 s9, s3;
	s13 =	sadd.s32 s15, s17;
	s14 =	sadd.s32 s16, s17  }
0x14: {  	s17 =	sadd.s32 $0x280, s17;
	s9 =	sadd.s32 $0x3E80, s6;
	s25 =	sadd.s32 $0x7D00, s6  }
0x15: {  	s26 =	sadd.s32 $0xBB80, s6;
	s10 =	sadd.s32 $0xFA00, s6;
	s11 =	sadd.s32 $0x13880, s6  }
0x16: {  	s15 =	sadd.s32 s15, s17;
	s16 =	sadd.s32 s16, s17;
	[dreg:$0x6] =	wrdreg s9  }
0x17: {  	s17 =	sadd.s32 $0x16400, s1;
	s1 =	simm.s32 $0xA780;
	[dreg:$0x7] =	wrdreg s25  }
0x18: {  	v0 =	vimm.f32 $0.0e+00;
	v1 =	vimm.f32 $1.000000000e+00;
	[dreg:$0x8] =	wrdreg s26;
	s25 =	simm.s32 $0x8080;
	s26 =	simm.s32 $0x4000  }
.LBB2_1:
0x19: {  	s2 =	sand.u32 $0xFE00, s5  }
0x1a: {  	s7 =	sand.u32 $0x70, s5;
	s8 =	sshrl.u32 s2, $0x2  }
0x1b: {  	s2 =	simm.s32 $0x40;
	s8 =	sor.u32 s7, s8;
	s7 =	simm.s32 $0x0  }
.LBB2_2:
0x1c: {  	p0 =	sne.s32 s2, $0xF9C0  }
0x1d: {  	[tilespmem:s8+$0x0] =	vst v0;
	s7 =	sadd.s32 $0x10, s7;
	s8 =	smov.u32 s2;
	s2 =	sadd.s32 $0x40, s2  }
.Ltmp0:
0x1e: {  	(pc) =	sbr.rel @p0 .LBB2_2-.Ltmp0, $4  }
0x1f: {  	_ = 	snop  }
0x20: {  	s8 =	sand.u32 $0xFE00, s8  }
0x21: {  	s9 =	sand.u32 $0x70, s7;
	s8 =	sshrl.u32 s8, $0x2  }
0x22: {  	s8 =	sor.u32 s9, s8  }
0x23: {  	[tilespmem:s8+$0x0] =	vst v0;
	s2 =	simm.s32 $0x0  }
0x24: {  	[spmem:s6] =	stream.linear.scatter [tilespmem:s2], [sflag:$0x3], $0x3E80, $0x38;
	[tilespmem:$0x1ED80] =	vst v63  }
0x25: {  	_ =	swait.ge [sflag:s20], $0x3E80  }
0x26: {  	[sflag:s20] =	ssyncset.done $0x0  }
0x27: {  	s7 =	rddreg [dreg:$0x6];
	[sflag:s20] =	ssyncadd.s32 $0xFFFFC180  }
0x28: {  	[spmem:s7] =	stream.linear.scatter [tilespmem:s2], [sflag:$0x3], $0x3E80, $0x38;
	[tilespmem:$0x1ED80] =	vst v63  }
0x29: {  	_ =	swait.ge [sflag:s20], $0x3E80  }
0x2a: {  	[sflag:s20] =	ssyncset.done $0x0  }
0x2b: {  	s9 =	rddreg [dreg:$0x7];
	[sflag:s20] =	ssyncadd.s32 $0xFFFFC180  }
0x2c: {  	[spmem:s9] =	stream.linear.scatter [tilespmem:s2], [sflag:$0x3], $0x3E80, $0x38;
	[tilespmem:$0x1ED80] =	vst v63  }
0x2d: {  	_ =	swait.ge [sflag:s20], $0x3E80  }
0x2e: {  	[sflag:s20] =	ssyncset.done $0x0  }
0x2f: {  	s8 =	rddreg [dreg:$0x8];
	[sflag:s20] =	ssyncadd.s32 $0xFFFFC180  }
0x30: {  	[spmem:s8] =	stream.linear.scatter [tilespmem:s2], [sflag:$0x3], $0x3E80, $0x38;
	[tilespmem:$0x1ED80] =	vst v63  }
0x31: {  	_ =	swait.ge [sflag:s20], $0x3E80  }
0x32: {  	[sflag:s20] =	ssyncset.done $0x0  }
0x33: {  	[sflag:s20] =	ssyncadd.s32 $0xFFFFC180  }
0x34: {  	[spmem:s10] =	stream.linear.scatter [tilespmem:s2], [sflag:$0x3], $0x3E80, $0x38;
	[tilespmem:$0x1ED80] =	vst v63  }
0x35: {  	_ =	swait.ge [sflag:s20], $0x3E80  }
0x36: {  	[sflag:s20] =	ssyncset.done $0x0  }
0x37: {  	[sflag:s20] =	ssyncadd.s32 $0xFFFFC180  }
0x38: {  	[spmem:s11] =	stream.linear.scatter [tilespmem:s2], [sflag:$0x3], $0x780, $0x38;
	[tilespmem:$0x1ED80] =	vst v63  }
0x39: {  	_ =	swait.ge [sflag:s20], $0x780  }
0x3a: {  	[sflag:s20] =	ssyncset.done $0x0  }
0x3b: {  	[sflag:s20] =	ssyncadd.s32 $0xFFFFF880  }
0x3c: {  	[tilespmem:$0xA800] =	vst v1  }
0x3d: {  	[tilespmem:$0xA810] =	vst v1  }
0x3e: {  	[tilespmem:$0xA820] =	vst v1  }
0x3f: {  	[tilespmem:$0xA830] =	vst v1  }
0x40: {  	[tilespmem:$0xA840] =	vst v1  }
0x41: {  	[tilespmem:$0xA850] =	vst v1  }
0x42: {  	[tilespmem:$0xA860] =	vst v1  }
0x43: {  	[tilespmem:$0xA880] =	vst v0  }
0x44: {  	[tilespmem:$0xA890] =	vst v0  }
0x45: {  	[tilespmem:$0xA8A0] =	vst v0  }
0x46: {  	[tilespmem:$0xA8B0] =	vst v0  }
0x47: {  	[tilespmem:$0xA8C0] =	vst v0  }
0x48: {  	[tilespmem:$0xA8D0] =	vst v0  }
0x49: {  	[tilespmem:$0xA8E0] =	vst v0  }
0x4a: {  	[tilespmem:$0xA8F0] =	vst v0  }
0x4b: {  	[tilespmem:$0xA900] =	vst v0  }
0x4c: {  	[tilespmem:$0xA910] =	vst v0  }
0x4d: {  	[tilespmem:$0xA920] =	vst v0  }
0x4e: {  	[tilespmem:$0xA930] =	vst v0  }
0x4f: {  	[tilespmem:$0xA940] =	vst v0  }
0x50: {  	[tilespmem:$0xA950] =	vst v0  }
0x51: {  	[tilespmem:$0xA960] =	vst v0  }
0x52: {  	[tilespmem:$0xA970] =	vst v0  }
0x53: {  	[tilespmem:$0xA980] =	vst v0  }
0x54: {  	[tilespmem:$0xA990] =	vst v0  }
0x55: {  	[tilespmem:$0xA9A0] =	vst v0  }
0x56: {  	[tilespmem:$0xA9B0] =	vst v0  }
0x57: {  	[tilespmem:$0xA9C0] =	vst v0  }
0x58: {  	[tilespmem:$0xA9D0] =	vst v0  }
0x59: {  	[tilespmem:$0xA9E0] =	vst v0  }
0x5a: {  	[tilespmem:$0xA9F0] =	vst v0  }
0x5b: {  	[tilespmem:$0xAA00] =	vst v0  }
0x5c: {  	[tilespmem:$0xAA10] =	vst v0  }
0x5d: {  	[tilespmem:$0xAA20] =	vst v0  }
0x5e: {  	[tilespmem:$0xAA30] =	vst v0  }
0x5f: {  	[tilespmem:$0xAA40] =	vst v0  }
0x60: {  	[tilespmem:$0xAA50] =	vst v0  }
0x61: {  	[tilespmem:$0xAA60] =	vst v0  }
0x62: {  	[tilespmem:$0xAA70] =	vst v0  }
0x63: {  	[tilespmem:$0xAA80] =	vst v0  }
0x64: {  	[tilespmem:$0xAA90] =	vst v0  }
0x65: {  	[tilespmem:$0xAAA0] =	vst v0  }
0x66: {  	[tilespmem:$0xAAB0] =	vst v0  }
0x67: {  	[tilespmem:$0xAAC0] =	vst v0  }
0x68: {  	[tilespmem:$0xAAD0] =	vst v0  }
0x69: {  	[tilespmem:$0xAAE0] =	vst v0  }
0x6a: {  	[tilespmem:$0xAAF0] =	vst v0  }
0x6b: {  	s9 =	simm.s32 $0xA880;
	[tilespmem:$0xA86D] =	vst v1  }
0x6c: {  	[spmem:s12] =	stream.linear.scatter [tilespmem:s9], [sflag:$0x3], $0x280, $0x38;
	[tilespmem:$0x1ED80] =	vst v63  }
0x6d: {  	_ =	swait.ge [sflag:s20], $0x280  }
0x6e: {  	[sflag:s20] =	ssyncset.done $0x0  }
0x6f: {  	[sflag:s20] =	ssyncadd.s32 $0xFFFFFD80  }
0x70: {  	[bflag:$0x0] =	sbarrier.arrive $0xFFFF  }
0x71: {  	[tilespmem:s22], [sflag:$0x3] =	stream.linear.gather [hbm4b:s13+s2], $0x1400, $0x38;
	[tilespmem:$0x1ED80] =	vst v63  }
0x72: {  	_ =	swait.ge [sflag:s20], $0x1400  }
0x73: {  	[sflag:s20] =	ssyncset.done $0x0  }
0x74: {  	[sflag:s20] =	ssyncadd.s32 $0xFFFFEC00  }
0x75: {  	[tilespmem:s23], [sflag:$0x3] =	stream.linear.gather [hbm4b:s14+s2], $0x1400, $0x38;
	[tilespmem:$0x1ED80] =	vst v63  }
0x76: {  	_ =	swait.ge [sflag:s20], $0x1400  }
0x77: {  	[sflag:s20] =	ssyncset.done $0x0  }
0x78: {  	[sflag:s20] =	ssyncadd.s32 $0xFFFFEC00  }
0x79: {  	[tilespmem:s2], [sflag:$0x1] =	stream.indirect.gather [hbm4b:s0+s24], $0x80, s22, s24, $0xb8;
	[tilespmem:$0x1ED80] =	vst v63  }
0x7a: {  	_ = 	snop  }
0x7b: {  	[tilespmem:s26], [sflag:$0x2] =	stream.indirect.gather [hbm4b:s0+s24], $0x80, s25, s24, $0xb8;
	[tilespmem:$0x1ED80] =	vst v63  }
0x7c: {  	_ =	swait.ge [sflag:s28], $0x3E80  }
0x7d: {  	[sflag:s28] =	ssyncset.done $0x0  }
0x7e: {  	s7 =	simm.s32 $0x9400;
	[sflag:s28] =	ssyncadd.s32 $0xFFFFC180  }
0x7f: {  	[spmem:s4] =	stream.indirect.scatter.add.f32 [tilespmem:s29], [sflag:$0x3], $0x1, s7, s24, $0xb8;
	[tilespmem:$0x1ED80] =	vst v63  }
0x80: {  	_ =	swait.ge [sflag:s20], $0x7D  }
0x81: {  	[sflag:s20] =	ssyncset.done $0x0  }
0x82: {  	[sflag:s20] =	ssyncadd.s32 $0xFFFFFF83  }
0x83: {  	[spmem:s3] =	stream.indirect.scatter.add.f32 [tilespmem:s5], [sflag:$0x3], $0x80, s7, s24, $0xb8;
	[tilespmem:$0x1ED80] =	vst v63  }
0x84: {  	_ =	swait.ge [sflag:s20], $0x3E80  }
0x85: {  	[sflag:s20] =	ssyncset.done $0x0  }
0x86: {  	s8 =	simm.s32 $0x8100;
	[sflag:s20] =	ssyncadd.s32 $0xFFFFC180  }
0x87: {  	[tilespmem:s5], [sflag:$0x1] =	stream.indirect.gather [hbm4b:s0+s24], $0x80, s8, s24, $0xb8;
	[tilespmem:$0x1ED80] =	vst v63  }
0x88: {  	_ =	swait.ge [sflag:s30], $0x3E80  }
0x89: {  	[sflag:s30] =	ssyncset.done $0x0  }
0x8a: {  	s9 =	simm.s32 $0x9480;
	[sflag:s30] =	ssyncadd.s32 $0xFFFFC180  }
0x8b: {  	[spmem:s4] =	stream.indirect.scatter.add.f32 [tilespmem:s29], [sflag:$0x3], $0x1, s9, s24, $0xb8;
	[tilespmem:$0x1ED80] =	vst v63  }
0x8c: {  	_ =	swait.ge [sflag:s20], $0x7D  }
0x8d: {  	[sflag:s20] =	ssyncset.done $0x0  }
0x8e: {  	[sflag:s20] =	ssyncadd.s32 $0xFFFFFF83  }
0x8f: {  	[spmem:s3] =	stream.indirect.scatter.add.f32 [tilespmem:s26], [sflag:$0x3], $0x80, s9, s24, $0xb8;
	[tilespmem:$0x1ED80] =	vst v63  }
0x90: {  	_ =	swait.ge [sflag:s20], $0x3E80  }
0x91: {  	[sflag:s20] =	ssyncset.done $0x0  }
0x92: {  	s2 =	simm.s32 $0x400;
	s7 =	simm.s32 $0x8180;
	[sflag:s20] =	ssyncadd.s32 $0xFFFFC180  }
.LBB2_4:
0x93: {  	[tilespmem:s26], [sflag:$0x2] =	stream.indirect.gather [hbm4b:s0+s24], $0x80, s7, s24, $0xb8;
	[tilespmem:$0x1ED80] =	vst v63  }
0x94: {  	s7 =	smov.u32 s2  }
0x95: {  	p0 =	sne.s32 s2, $0x4800;
	s2 =	sadd.s32 $0x400, s2;
	_ =	swait.ge [sflag:s28], $0x3E80  }
0x96: {  	s7 =	sshra.s32 s7, $0x2;
	[sflag:s28] =	ssyncset.done $0x0  }
0x97: {  	s8 =	sadd.s32 $0x9400, s7;
	[sflag:s28] =	ssyncadd.s32 $0xFFFFC180  }
0x98: {  	[spmem:s4] =	stream.indirect.scatter.add.f32 [tilespmem:s29], [sflag:$0x3], $0x1, s8, s24, $0xb8;
	[tilespmem:$0x1ED80] =	vst v63  }
0x99: {  	_ =	swait.ge [sflag:s20], $0x7D  }
0x9a: {  	[sflag:s20] =	ssyncset.done $0x0  }
0x9b: {  	[sflag:s20] =	ssyncadd.s32 $0xFFFFFF83  }
0x9c: {  	[spmem:s3] =	stream.indirect.scatter.add.f32 [tilespmem:s5], [sflag:$0x3], $0x80, s8, s24, $0xb8;
	[tilespmem:$0x1ED80] =	vst v63  }
0x9d: {  	_ =	swait.ge [sflag:s20], $0x3E80  }
0x9e: {  	[sflag:s20] =	ssyncset.done $0x0  }
0x9f: {  	s8 =	sadd.s32 $0x8100, s7;
	[sflag:s20] =	ssyncadd.s32 $0xFFFFC180  }
0xa0: {  	[tilespmem:s5], [sflag:$0x1] =	stream.indirect.gather [hbm4b:s0+s24], $0x80, s8, s24, $0xb8;
	[tilespmem:$0x1ED80] =	vst v63  }
0xa1: {  	_ =	swait.ge [sflag:s30], $0x3E80  }
0xa2: {  	[sflag:s30] =	ssyncset.done $0x0  }
0xa3: {  	s8 =	sadd.s32 $0x9480, s7;
	[sflag:s30] =	ssyncadd.s32 $0xFFFFC180  }
0xa4: {  	[spmem:s4] =	stream.indirect.scatter.add.f32 [tilespmem:s29], [sflag:$0x3], $0x1, s8, s24, $0xb8;
	[tilespmem:$0x1ED80] =	vst v63  }
0xa5: {  	_ =	swait.ge [sflag:s20], $0x7D  }
0xa6: {  	[sflag:s20] =	ssyncset.done $0x0  }
.Ltmp1:
0xa7: {  	[sflag:s20] =	ssyncadd.s32 $0xFFFFFF83;
	(pc) =	sbr.rel @p0 .LBB2_4-.Ltmp1, $4  }
0xa8: {  	[spmem:s3] =	stream.indirect.scatter.add.f32 [tilespmem:s26], [sflag:$0x3], $0x80, s8, s24, $0xb8;
	[tilespmem:$0x1ED80] =	vst v63  }
0xa9: {  	_ =	swait.ge [sflag:s20], $0x3E80  }
0xaa: {  	[sflag:s20] =	ssyncset.done $0x0  }
0xab: {  	s7 =	sadd.s32 $0x8180, s7;
	[sflag:s20] =	ssyncadd.s32 $0xFFFFC180  }
0xac: {  	[tilespmem:s26], [sflag:$0x2] =	stream.indirect.gather [hbm4b:s0+s24], $0x80, s7, s24, $0xb8;
	[tilespmem:$0x1ED80] =	vst v63  }
0xad: {  	_ =	swait.ge [sflag:s28], $0x3E80  }
0xae: {  	[sflag:s28] =	ssyncset.done $0x0  }
0xaf: {  	[sflag:s28] =	ssyncadd.s32 $0xFFFFC180  }
0xb0: {  	[spmem:s4] =	stream.indirect.scatter.add.f32 [tilespmem:s29], [sflag:$0x3], $0x1, s31, s24, $0xb8;
	[tilespmem:$0x1ED80] =	vst v63  }
0xb1: {  	_ =	swait.ge [sflag:s20], $0x7D  }
0xb2: {  	[sflag:s20] =	ssyncset.done $0x0  }
0xb3: {  	s2 =	simm.s32 $0x0;
	[sflag:s20] =	ssyncadd.s32 $0xFFFFFF83  }
0xb4: {  	[spmem:s3] =	stream.indirect.scatter.add.f32 [tilespmem:s2], [sflag:$0x3], $0x80, s31, s24, $0xb8;
	[tilespmem:$0x1ED80] =	vst v63  }
0xb5: {  	_ =	swait.ge [sflag:s20], $0x3E80  }
0xb6: {  	[sflag:s20] =	ssyncset.done $0x0  }
0xb7: {  	[sflag:s20] =	ssyncadd.s32 $0xFFFFC180  }
0xb8: {  	_ =	swait.ge [sflag:s30], $0x3E80  }
0xb9: {  	[sflag:s30] =	ssyncset.done $0x0  }
0xba: {  	[sflag:s30] =	ssyncadd.s32 $0xFFFFC180  }
0xbb: {  	[spmem:s4] =	stream.indirect.scatter.add.f32 [tilespmem:s29], [sflag:$0x3], $0x1, s1, s24, $0xb8;
	[tilespmem:$0x1ED80] =	vst v63  }
0xbc: {  	_ =	swait.ge [sflag:s20], $0x7D  }
0xbd: {  	[sflag:s20] =	ssyncset.done $0x0  }
0xbe: {  	[sflag:s20] =	ssyncadd.s32 $0xFFFFFF83  }
0xbf: {  	[spmem:s3] =	stream.indirect.scatter.add.f32 [tilespmem:s26], [sflag:$0x3], $0x80, s1, s24, $0xb8;
	[tilespmem:$0x1ED80] =	vst v63  }
0xc0: {  	_ =	swait.ge [sflag:s20], $0x3E80  }
0xc1: {  	[sflag:s20] =	ssyncset.done $0x0  }
0xc2: {  	[sflag:s20] =	ssyncadd.s32 $0xFFFFC180  }
0xc3: {  	[tilespmem:s22], [sflag:$0x3] =	stream.linear.gather [hbm4b:s15+s2], $0x1400, $0x38;
	[tilespmem:$0x1ED80] =	vst v63  }
0xc4: {  	_ =	swait.ge [sflag:s20], $0x1400  }
0xc5: {  	[sflag:s20] =	ssyncset.done $0x0  }
0xc6: {  	[sflag:s20] =	ssyncadd.s32 $0xFFFFEC00  }
0xc7: {  	[tilespmem:s23], [sflag:$0x3] =	stream.linear.gather [hbm4b:s16+s2], $0x1400, $0x38;
	[tilespmem:$0x1ED80] =	vst v63  }
0xc8: {  	_ =	swait.ge [sflag:s20], $0x1400  }
0xc9: {  	[sflag:s20] =	ssyncset.done $0x0  }
0xca: {  	[sflag:s20] =	ssyncadd.s32 $0xFFFFEC00  }
0xcb: {  	[tilespmem:s2], [sflag:$0x1] =	stream.indirect.gather [hbm4b:s0+s24], $0x80, s22, s24, $0xb8;
	[tilespmem:$0x1ED80] =	vst v63  }
0xcc: {  	_ = 	snop  }
0xcd: {  	[tilespmem:s26], [sflag:$0x2] =	stream.indirect.gather [hbm4b:s0+s24], $0x80, s25, s24, $0xb8;
	[tilespmem:$0x1ED80] =	vst v63  }
0xce: {  	_ =	swait.ge [sflag:s28], $0x3E80  }
0xcf: {  	[sflag:s28] =	ssyncset.done $0x0  }
0xd0: {  	s7 =	simm.s32 $0x9400;
	[sflag:s28] =	ssyncadd.s32 $0xFFFFC180  }
0xd1: {  	[spmem:s4] =	stream.indirect.scatter.add.f32 [tilespmem:s29], [sflag:$0x3], $0x1, s7, s24, $0xb8;
	[tilespmem:$0x1ED80] =	vst v63  }
0xd2: {  	_ =	swait.ge [sflag:s20], $0x7D  }
0xd3: {  	[sflag:s20] =	ssyncset.done $0x0  }
0xd4: {  	[sflag:s20] =	ssyncadd.s32 $0xFFFFFF83  }
0xd5: {  	[spmem:s3] =	stream.indirect.scatter.add.f32 [tilespmem:s5], [sflag:$0x3], $0x80, s7, s24, $0xb8;
	[tilespmem:$0x1ED80] =	vst v63  }
0xd6: {  	_ =	swait.ge [sflag:s20], $0x3E80  }
0xd7: {  	[sflag:s20] =	ssyncset.done $0x0  }
0xd8: {  	s8 =	simm.s32 $0x8100;
	[sflag:s20] =	ssyncadd.s32 $0xFFFFC180  }
0xd9: {  	[tilespmem:s5], [sflag:$0x1] =	stream.indirect.gather [hbm4b:s0+s24], $0x80, s8, s24, $0xb8;
	[tilespmem:$0x1ED80] =	vst v63  }
0xda: {  	_ =	swait.ge [sflag:s30], $0x3E80  }
0xdb: {  	[sflag:s30] =	ssyncset.done $0x0  }
0xdc: {  	s9 =	simm.s32 $0x9480;
	[sflag:s30] =	ssyncadd.s32 $0xFFFFC180  }
0xdd: {  	[spmem:s4] =	stream.indirect.scatter.add.f32 [tilespmem:s29], [sflag:$0x3], $0x1, s9, s24, $0xb8;
	[tilespmem:$0x1ED80] =	vst v63  }
0xde: {  	_ =	swait.ge [sflag:s20], $0x7D  }
0xdf: {  	[sflag:s20] =	ssyncset.done $0x0  }
0xe0: {  	[sflag:s20] =	ssyncadd.s32 $0xFFFFFF83  }
0xe1: {  	[spmem:s3] =	stream.indirect.scatter.add.f32 [tilespmem:s26], [sflag:$0x3], $0x80, s9, s24, $0xb8;
	[tilespmem:$0x1ED80] =	vst v63  }
0xe2: {  	_ =	swait.ge [sflag:s20], $0x3E80  }
0xe3: {  	[sflag:s20] =	ssyncset.done $0x0  }
0xe4: {  	s2 =	simm.s32 $0x400;
	s7 =	simm.s32 $0x8180;
	[sflag:s20] =	ssyncadd.s32 $0xFFFFC180  }
.LBB2_6:
0xe5: {  	[tilespmem:s26], [sflag:$0x2] =	stream.indirect.gather [hbm4b:s0+s24], $0x80, s7, s24, $0xb8;
	[tilespmem:$0x1ED80] =	vst v63  }
0xe6: {  	s7 =	smov.u32 s2  }
0xe7: {  	p0 =	sne.s32 s2, $0x4800;
	s2 =	sadd.s32 $0x400, s2;
	_ =	swait.ge [sflag:s28], $0x3E80  }
0xe8: {  	s7 =	sshra.s32 s7, $0x2;
	[sflag:s28] =	ssyncset.done $0x0  }
0xe9: {  	s8 =	sadd.s32 $0x9400, s7;
	[sflag:s28] =	ssyncadd.s32 $0xFFFFC180  }
0xea: {  	[spmem:s4] =	stream.indirect.scatter.add.f32 [tilespmem:s29], [sflag:$0x3], $0x1, s8, s24, $0xb8;
	[tilespmem:$0x1ED80] =	vst v63  }
0xeb: {  	_ =	swait.ge [sflag:s20], $0x7D  }
0xec: {  	[sflag:s20] =	ssyncset.done $0x0  }
0xed: {  	[sflag:s20] =	ssyncadd.s32 $0xFFFFFF83  }
0xee: {  	[spmem:s3] =	stream.indirect.scatter.add.f32 [tilespmem:s5], [sflag:$0x3], $0x80, s8, s24, $0xb8;
	[tilespmem:$0x1ED80] =	vst v63  }
0xef: {  	_ =	swait.ge [sflag:s20], $0x3E80  }
0xf0: {  	[sflag:s20] =	ssyncset.done $0x0  }
0xf1: {  	s8 =	sadd.s32 $0x8100, s7;
	[sflag:s20] =	ssyncadd.s32 $0xFFFFC180  }
0xf2: {  	[tilespmem:s5], [sflag:$0x1] =	stream.indirect.gather [hbm4b:s0+s24], $0x80, s8, s24, $0xb8;
	[tilespmem:$0x1ED80] =	vst v63  }
0xf3: {  	_ =	swait.ge [sflag:s30], $0x3E80  }
0xf4: {  	[sflag:s30] =	ssyncset.done $0x0  }
0xf5: {  	s8 =	sadd.s32 $0x9480, s7;
	[sflag:s30] =	ssyncadd.s32 $0xFFFFC180  }
0xf6: {  	[spmem:s4] =	stream.indirect.scatter.add.f32 [tilespmem:s29], [sflag:$0x3], $0x1, s8, s24, $0xb8;
	[tilespmem:$0x1ED80] =	vst v63  }
0xf7: {  	_ =	swait.ge [sflag:s20], $0x7D  }
0xf8: {  	[sflag:s20] =	ssyncset.done $0x0  }
.Ltmp2:
0xf9: {  	[sflag:s20] =	ssyncadd.s32 $0xFFFFFF83;
	(pc) =	sbr.rel @p0 .LBB2_6-.Ltmp2, $4  }
0xfa: {  	[spmem:s3] =	stream.indirect.scatter.add.f32 [tilespmem:s26], [sflag:$0x3], $0x80, s8, s24, $0xb8;
	[tilespmem:$0x1ED80] =	vst v63  }
0xfb: {  	_ =	swait.ge [sflag:s20], $0x3E80  }
0xfc: {  	[sflag:s20] =	ssyncset.done $0x0  }
0xfd: {  	s7 =	sadd.s32 $0x8180, s7;
	[sflag:s20] =	ssyncadd.s32 $0xFFFFC180  }
0xfe: {  	[tilespmem:s26], [sflag:$0x2] =	stream.indirect.gather [hbm4b:s0+s24], $0x80, s7, s24, $0xb8;
	[tilespmem:$0x1ED80] =	vst v63  }
0xff: {  	_ =	swait.ge [sflag:s28], $0x3E80  }
0x100: {  	[sflag:s28] =	ssyncset.done $0x0  }
0x101: {  	[sflag:s28] =	ssyncadd.s32 $0xFFFFC180  }
0x102: {  	[spmem:s4] =	stream.indirect.scatter.add.f32 [tilespmem:s29], [sflag:$0x3], $0x1, s31, s24, $0xb8;
	[tilespmem:$0x1ED80] =	vst v63  }
0x103: {  	_ =	swait.ge [sflag:s20], $0x7D  }
0x104: {  	[sflag:s20] =	ssyncset.done $0x0  }
0x105: {  	[sflag:s20] =	ssyncadd.s32 $0xFFFFFF83  }
0x106: {  	[spmem:s3] =	stream.indirect.scatter.add.f32 [tilespmem:s5], [sflag:$0x3], $0x80, s31, s24, $0xb8;
	[tilespmem:$0x1ED80] =	vst v63  }
0x107: {  	_ =	swait.ge [sflag:s20], $0x3E80  }
0x108: {  	[sflag:s20] =	ssyncset.done $0x0  }
0x109: {  	[sflag:s20] =	ssyncadd.s32 $0xFFFFC180  }
0x10a: {  	_ =	swait.ge [sflag:s30], $0x3E80  }
0x10b: {  	[sflag:s30] =	ssyncset.done $0x0  }
0x10c: {  	[sflag:s30] =	ssyncadd.s32 $0xFFFFC180  }
0x10d: {  	[spmem:s4] =	stream.indirect.scatter.add.f32 [tilespmem:s29], [sflag:$0x3], $0x1, s1, s24, $0xb8;
	[tilespmem:$0x1ED80] =	vst v63  }
0x10e: {  	_ =	swait.ge [sflag:s20], $0x7D  }
0x10f: {  	[sflag:s20] =	ssyncset.done $0x0  }
0x110: {  	[sflag:s20] =	ssyncadd.s32 $0xFFFFFF83  }
0x111: {  	[spmem:s3] =	stream.indirect.scatter.add.f32 [tilespmem:s26], [sflag:$0x3], $0x80, s1, s24, $0xb8;
	[tilespmem:$0x1ED80] =	vst v63  }
0x112: {  	_ =	swait.ge [sflag:s20], $0x3E80  }
0x113: {  	s2 =	stileid.u32;
	[sflag:s20] =	ssyncset.done $0x0  }
0x114: {  	s2 =	sshll.u32 s2, $0x6;
	[sflag:s20] =	ssyncadd.s32 $0xFFFFC180  }
0x115: {  	s9 =	sshrl.u32 s6, $0x3;
	s2 =	sor.u32 $0x1C03, s2;
	[bflag:$0x0] =	sbarrier.arrive $0xFFFF  }
0x116: {  	[hbm:s17], [sflag:s2] =	dma.local [spmem:s9], $0x2800  }
0x117: {  	s7 =	sshrl.u32 s12, $0x3;
	s21 =	sadd.s32 $0x1, s21;
	_ =	swait.ge [sflag:s20], $0x2800  }
0x118: {  	s8 =	simm.s32 $0x20;
	p0 =	sne.s32 s21, s19;
	[sflag:s20] =	ssyncset.done $0x0  }
.Ltmp3:
0x119: {  	s9 =	simm.s32 $0x10;
	[sflag:s20] =	ssyncadd.s32 $0xFFFFD800;
	(pc) =	sbr.rel @p0 .LBB2_1-.Ltmp3, $4  }
0x11a: {  	[hbm:s18@s8], [sflag:s2] =	dma.strided [spmem:s7@s9], $0x50, s28, $0x10   }
0x11b: {  	_ =	swait.ge [sflag:s20], $0x50  }
0x11c: {  	[sflag:s20] =	ssyncset.done $0x0  }
0x11d: {  	[sflag:s20] =	ssyncadd.s32 $0xFFFFFFB0  }
0x11e: {  	_ =	sfence.sel $0x180000  }
0x11f: {  	[bflag:$0x0] =	sbarrier.arrive $0xFFFF  }
0x120: {  	_ =	strace $0x90000047  }
0x121: {  	s0 =	stileid.u32;
	[bflag:$0x2] =	sbarrier.arrive $0xFFFF  }
0x122: {  	p0 =	sne.s32 s0, $0x0;
	s0 =	rddreg [dreg:$0x5]  }
0x123: {  	s0 =	sadd.s32 @!p0 $0x100000, s0  }
0x124: {  	[sflag:s0] =	ssyncadd.tile.s32 @!p0 $0x1;
	_ =	shalt  }
.Lfunc_end2:
_tile_overlayer_lowered:
.L_overlay_start_2:
0x125: {  	(tag) =	ssettag $0x2  }
0x126: {  	s0 =	rddreg [dreg:$0x0];
	s2 =	stileid.u32  }
0x127: {  	s1 =	rddreg [dreg:$0x1];
	p0 =	sne.s32 s2, $0x0  }
0x128: {  	s3 =	rddreg [dreg:$0x2];
	[bflag:$0x3] =	sbarrier.arrive $0xFFFF;
	s2 =	simm.s32 @!p0 $0x1C03  }
0x129: {  	[timem:s3], [sflag:s2] =	dma.local @!p0 [hbm:s0], s1  }
0x12a: {  	s0 =	simm.s32 @!p0 $0x3  }
0x12b: {  	_ =	swait.ge @!p0 [sflag:s0], s1  }
0x12c: {  	s1 =	ssub.s32 @!p0 $0x0, s1;
	[sflag:s0] =	ssyncset.done @!p0 $0x0  }
0x12d: {  	[sflag:s0] =	ssyncadd.s32 @!p0 s1  }
0x12e: {  	[bflag:$0x3] =	sbarrier.arrive $0xFFFF  }
0x12f: {  	_ =	shalt  }

</sc_bundles>
